<compile_context>
chip_gen: v7x
topology: tpu7x:2x2x1
jax: 0.10.2.dev20260603
libtpu: 0.0.44.dev20260713+nightly
codegen_flags: <defaults>
</compile_context>

<pallas_src>
import functools

import numpy as np
import jax
import jax.numpy as jnp
from jax import lax
from jax.experimental import pallas as pl
from jax.experimental.pallas import tpu as pltpu
from jax.experimental.pallas import tpu_sc as plsc

N = 10000
E = 160000
W = 16
NC = 2
NS = 16
NW = NC * NS
EPW = E // NW
RPS = N // NS

_f32 = jnp.float32


def _leaky(v):
    return jnp.where(v > 0, v, 0.01 * v)



def _pre_body(x_ref, w1_ref, b1_ref, wl_ref, bl_ref, h_ref, hl_ref):
    h = jnp.dot(x_ref[...], w1_ref[...], preferred_element_type=_f32) + b1_ref[...]
    h_ref[...] = h
    hl_ref[...] = jnp.dot(h, wl_ref[...], preferred_element_type=_f32) + bl_ref[...]


def _pre(x, fc1_W, fc1_b, lin_W, lin_b):
    return pl.pallas_call(
        _pre_body,
        out_shape=[jax.ShapeDtypeStruct((N, W), _f32)] * 2,
    )(x, fc1_W, fc1_b.reshape(1, W), lin_W, lin_b.reshape(1, W))


EB = 3200
GE = E // EB
EBP = EB // 8
EP8 = E // 8


def _msg_body(attr_ref, hjp_ref, k0w, k0b, k1w, k1b, k2w, k2b, k3w, k3b,
              r_ref, s_ref, msgp_ref):
    a = attr_ref[...]
    h1 = _leaky(a * k0w[...] + k0b[...])
    h2 = _leaky(jnp.dot(h1, k1w[...], preferred_element_type=_f32) + k1b[...])
    h3 = _leaky(jnp.dot(h2, k2w[...], preferred_element_type=_f32) + k2b[...])
    wop = jnp.dot(h3, k3w[...], preferred_element_type=_f32) + k3b[...]
    hjp = hjp_ref[...]
    for j in range(8):
        hj_j = hjp[:, 16 * j:16 * (j + 1)]
        ex_j = jnp.dot(hj_j, r_ref[...], preferred_element_type=_f32)
        p_j = ex_j * wop[j * EBP:(j + 1) * EBP, :]
        msgp_ref[:, 16 * j:16 * (j + 1)] = jnp.dot(
            p_j, s_ref[...], preferred_element_type=_f32)


def _msg(attr_t, hjp, k0_W, k0_b, k1_W, k1_b, k2_W, k2_b, k3_W, k3_b, Rm, Sm):
    def wspec(shape):
        return pl.BlockSpec(shape, lambda i: (0, 0))
    return pl.pallas_call(
        _msg_body,
        grid=(GE,),
        in_specs=[
            pl.BlockSpec((EB, 1), lambda i: (i, 0)),
            pl.BlockSpec((EBP, 128), lambda i: (i, 0)),
            wspec((1, 32)), wspec((1, 32)),
            wspec((32, 64)), wspec((1, 64)),
            wspec((64, 128)), wspec((1, 128)),
            wspec((128, 256)), wspec((1, 256)),
            wspec((W, 256)), wspec((256, W)),
        ],
        out_specs=pl.BlockSpec((EBP, 128), lambda i: (i, 0)),
        out_shape=jax.ShapeDtypeStruct((EP8, 128), _f32),
    )(attr_t, hjp, k0_W, k0_b.reshape(1, 32), k1_W, k1_b.reshape(1, 64),
      k2_W, k2_b.reshape(1, 128), k3_W, k3_b.reshape(1, 256), Rm, Sm)


def _upd1_body(p_ref, c_ref, h_ref, root_ref, kb_ref, wl_ref, bl_ref,
               h1_ref, hl1_ref, cnt_ref):
    cnt = jnp.maximum(c_ref[0] + c_ref[1], 1.0)
    h1 = ((p_ref[0] + p_ref[1]) / cnt
          + jnp.dot(h_ref[...], root_ref[...], preferred_element_type=_f32)
          + kb_ref[...])
    h1_ref[...] = h1
    hl1_ref[...] = jnp.dot(h1, wl_ref[...], preferred_element_type=_f32) + bl_ref[...]
    cnt_ref[...] = cnt


def _upd1(p, c, h, root, kbias, lin_W, lin_b):
    return pl.pallas_call(
        _upd1_body,
        out_shape=[jax.ShapeDtypeStruct((N, W), _f32)] * 3,
    )(p, c, h, root, kbias.reshape(1, W), lin_W, lin_b.reshape(1, W))


def _upd2_body(p_ref, cnt_ref, h_ref, root_ref, kb_ref, wo_ref, bo_ref, out_ref):
    h2 = ((p_ref[0] + p_ref[1]) / cnt_ref[...]
          + jnp.dot(h_ref[...], root_ref[...], preferred_element_type=_f32)
          + kb_ref[...])
    out_ref[...] = jnp.dot(h2, wo_ref[...], preferred_element_type=_f32) + bo_ref[...]


def _upd2(p, cnt, h, root, kbias, fco_W, fco_b):
    return pl.pallas_call(
        _upd2_body,
        out_shape=jax.ShapeDtypeStruct((N, 128), _f32),
    )(p, cnt, h, root, kbias.reshape(1, W), fco_W, fco_b.reshape(1, 128))



def _gather_body(table_hbm, idx_hbm, out_hbm, idx_v, rows_v, sem):
    wid = lax.axis_index("s") * NC + lax.axis_index("c")
    base = wid * EPW
    pltpu.sync_copy(idx_hbm.at[pl.ds(base, EPW)], idx_v)
    pltpu.async_copy(table_hbm.at[idx_v], rows_v, sem).wait()
    pltpu.sync_copy(rows_v, out_hbm.at[pl.ds(base, EPW)])


def _scatter_body(with_count, *refs):
    if with_count:
        (msg_hbm, dst_hbm, ones_hbm, aggr_hbm, cntp_hbm,
         idx_v, rows_v, acc_sh, cnt_sh) = refs
    else:
        (msg_hbm, dst_hbm, aggr_hbm, idx_v, rows_v, acc_sh) = refs
    cid = lax.axis_index("c")
    sid = lax.axis_index("s")
    wid = sid * NC + cid
    base = wid * EPW
    rs = sid * RPS

    def zrow(i, _):
        rows_v[i, :] = jnp.zeros((W,), _f32)
        return 0
    lax.fori_loop(0, RPS, zrow, 0)
    pltpu.sync_copy(rows_v.at[pl.ds(0, RPS)], acc_sh.at[pl.ds(rs, RPS)])
    if with_count:
        pltpu.sync_copy(rows_v.at[pl.ds(0, RPS)], cnt_sh.at[pl.ds(rs, RPS)])
    plsc.subcore_barrier()

    pltpu.sync_copy(dst_hbm.at[pl.ds(base, EPW)], idx_v)
    if with_count:
        pltpu.sync_copy(ones_hbm, rows_v)
        pltpu.sync_copy(rows_v, cnt_sh.at[idx_v], add=True)
    pltpu.sync_copy(msg_hbm.at[pl.ds(base, EPW)], rows_v)
    pltpu.sync_copy(rows_v, acc_sh.at[idx_v], add=True)
    plsc.subcore_barrier()

    pltpu.sync_copy(acc_sh.at[pl.ds(rs, RPS)], aggr_hbm.at[cid, pl.ds(rs, RPS)])
    if with_count:
        pltpu.sync_copy(cnt_sh.at[pl.ds(rs, RPS)], cntp_hbm.at[cid, pl.ds(rs, RPS)])


@functools.lru_cache(maxsize=None)
def _sc_kernels():
    mesh = plsc.VectorSubcoreMesh(core_axis_name="c", subcore_axis_name="s",
                                  num_cores=NC, num_subcores=NS)
    params = pltpu.CompilerParams(use_tc_tiling_on_sc=False)
    gather_k = pl.kernel(
        _gather_body,
        out_type=jax.ShapeDtypeStruct((E, W), _f32),
        mesh=mesh,
        compiler_params=params,
        scratch_types=[
            pltpu.VMEM((EPW,), jnp.int32),
            pltpu.VMEM((EPW, W), _f32),
            pltpu.SemaphoreType.DMA,
        ],
    )
    scatter_cnt_k = pl.kernel(
        functools.partial(_scatter_body, True),
        out_type=(jax.ShapeDtypeStruct((NC, N, W), _f32),
                  jax.ShapeDtypeStruct((NC, N, W), _f32)),
        mesh=mesh,
        compiler_params=params,
        scratch_types=[
            pltpu.VMEM((EPW,), jnp.int32),
            pltpu.VMEM((EPW, W), _f32),
            pltpu.VMEM_SHARED((N, W), _f32),
            pltpu.VMEM_SHARED((N, W), _f32),
        ],
    )
    scatter_k = pl.kernel(
        functools.partial(_scatter_body, False),
        out_type=jax.ShapeDtypeStruct((NC, N, W), _f32),
        mesh=mesh,
        compiler_params=params,
        scratch_types=[
            pltpu.VMEM((EPW,), jnp.int32),
            pltpu.VMEM((EPW, W), _f32),
            pltpu.VMEM_SHARED((N, W), _f32),
        ],
    )
    return gather_k, scatter_cnt_k, scatter_k



_R_const = np.kron(np.eye(W, dtype=np.float32), np.ones((1, W), np.float32))
_S_const = np.tile(np.eye(W, dtype=np.float32), (W, 1))


def kernel(x, edge_index, edge_attr, fc1_W, fc1_b, lin_W, lin_b,
           k0_W, k0_b, k1_W, k1_b, k2_W, k2_b, k3_W, k3_b,
           root, kbias, fco_W, fco_b):
    src_s = edge_index[0].reshape(8, EP8).T.reshape(E)
    dst_s = edge_index[1].reshape(8, EP8).T.reshape(E)
    attr_t = edge_attr.reshape(8, GE, EBP).transpose(1, 0, 2).reshape(E, 1)
    Rm = jnp.asarray(_R_const)
    Sm = jnp.asarray(_S_const)
    ones_rows = jnp.ones((EPW, W), _f32)
    _gather_k, _scatter_cnt_k, _scatter_k = _sc_kernels()

    h0, hl0 = _pre(x, fc1_W, fc1_b, lin_W, lin_b)

    hj1 = _gather_k(hl0, src_s).reshape(EP8, 128)
    msg1 = _msg(attr_t, hj1, k0_W, k0_b, k1_W, k1_b, k2_W, k2_b,
                k3_W, k3_b, Rm, Sm).reshape(E, W)
    aggr1, cntp = _scatter_cnt_k(msg1, dst_s, ones_rows)
    h1, hl1, cnt = _upd1(aggr1, cntp, h0, root, kbias, lin_W, lin_b)

    hj2 = _gather_k(hl1, src_s).reshape(EP8, 128)
    msg2 = _msg(attr_t, hj2, k0_W, k0_b, k1_W, k1_b, k2_W, k2_b,
                k3_W, k3_b, Rm, Sm).reshape(E, W)
    aggr2 = _scatter_k(msg2, dst_s)
    out = _upd2(aggr2, cnt, h1, root, kbias, fco_W, fco_b)
    return out

# --- scband reference (transcript-rebuilt; emitter-appended) ---
"""Pipeline reference for scband-teecnet-41832981463224 (READ-ONLY COPY).

The authoritative reference and input builder live on the scoring server;
editing this copy changes nothing except your own understanding.
"""

import jax, jax.numpy as jnp
import numpy as np

N, E, IN_C, WIDTH, OUT_C, NUM_LAYERS = 10000, 160000, 128, 16, 128, 2


def _leaky(v):
    return jnp.where(v > 0, v, 0.01 * v)


def _densenet(e, k0_W, k0_b, k1_W, k1_b, k2_W, k2_b, k3_W, k3_b):
    h = _leaky(e @ k0_W + k0_b)
    h = _leaky(h @ k1_W + k1_b)
    h = _leaky(h @ k2_W + k2_b)
    return h @ k3_W + k3_b


def setup_inputs(seed: int = 0):
    key = jax.random.key(seed)
    ks = jax.random.split(key, 24)
    def p(i, shape, scale=0.1):
        return jax.random.normal(ks[i], shape, dtype=jnp.float32) * scale
    return {
        "x": jax.random.normal(ks[0], (N, IN_C), dtype=jnp.float32),
        "edge_index": jax.random.randint(ks[1], (2, E), 0, N, dtype=jnp.int32),
        "edge_attr": jax.random.normal(ks[2], (E, 1), dtype=jnp.float32),
        "fc1_W": p(3, (IN_C, WIDTH)), "fc1_b": p(4, (WIDTH,)),
        "lin_W": p(5, (WIDTH, WIDTH)), "lin_b": p(6, (WIDTH,)),
        "k0_W": p(7, (1, 32)), "k0_b": p(8, (32,)),
        "k1_W": p(9, (32, 64)), "k1_b": p(10, (64,)),
        "k2_W": p(11, (64, 128)), "k2_b": p(12, (128,)),
        "k3_W": p(13, (128, WIDTH * WIDTH), 0.02), "k3_b": p(14, (WIDTH * WIDTH,), 0.02),
        "root": p(15, (WIDTH, WIDTH)), "kbias": p(16, (WIDTH,)),
        "fco_W": p(17, (WIDTH, OUT_C)), "fco_b": p(18, (OUT_C,)),
    }


def reference(x, edge_index, edge_attr, fc1_W, fc1_b, lin_W, lin_b, k0_W, k0_b, k1_W, k1_b, k2_W, k2_b, k3_W, k3_b, root, kbias, fco_W, fco_b):
    src = edge_index[0]
    dst = edge_index[1]
    h = x @ fc1_W + fc1_b
    cnt = jax.ops.segment_sum(jnp.ones((E,), dtype=jnp.float32), dst, num_segments=N)
    cnt = jnp.clip(cnt, 1.0, None)[:, None]
    for _ in range(NUM_LAYERS):
        wop = _densenet(edge_attr, k0_W, k0_b, k1_W, k1_b, k2_W, k2_b, k3_W, k3_b)
        wop = wop.reshape(E, WIDTH, WIDTH)
        h_j = h[src] @ lin_W + lin_b
        msg = jnp.einsum('ed,edo->eo', h_j, wop)
        aggr = jax.ops.segment_sum(msg, dst, num_segments=N) / cnt
        h = aggr + h @ root + kbias
    return h @ fco_W + fco_b

if __name__ == "__main__":
    import jax
    _d = setup_inputs()
    print(jax.jit(kernel)(*tuple(_d.values())))

</pallas_src>

<mosaic_0001>
#map = affine_map<(d0, d1) -> (0, 0)>
#map1 = affine_map<(d0, d1) -> (0)>
#map2 = affine_map<(d0, d1) -> (0, 0, 0)>
module attributes {stable_mosaic.version = 14 : i64} {
  func.func @_scatter_body(%arg0: i32, %arg1: i32, %arg2: memref<160000x16xf32, #tpu.memory_space<hbm>>, %arg3: memref<160000xi32, #tpu.memory_space<hbm>>, %arg4: memref<2x10000x16xf32, #tpu.memory_space<hbm>>, %arg5: memref<5000xi32, #tpu.memory_space<vmem>>, %arg6: memref<5000x16xf32, #tpu.memory_space<vmem>>, %arg7: memref<10000x16xf32, #tpu.memory_space<vmem_shared>>) attributes {dimension_semantics = [#tpu.dimension_semantics<core_parallel>, #tpu.dimension_semantics<subcore_parallel>], iteration_bounds = array<i64: 2, 16>, scalar_prefetch = 0 : i64, scratch_operands = 3 : i64, tpu.core_type = #tpu.core_type<sc_vector_subcore>, window_params = [{transform_indices = #map}, {transform_indices = #map1}, {transform_indices = #map2}]} {
    %mul3A = arith.constant 2 : i32
    %mul3A_0 = arith.muli %arg1, %mul3A : i32
    %add3A = arith.addi %mul3A_0, %arg0 : i32
    %mul3A_1 = arith.constant 5000 : i32
    %mul3A_2 = arith.muli %add3A, %mul3A_1 : i32
    %mul3A_3 = arith.constant 625 : i32
    %mul3A_4 = arith.muli %arg1, %mul3A_3 : i32
    %scan3A = arith.constant 0 : i32
    %scan3A_5 = arith.constant 0 : i32
    %scan3A_6 = arith.constant 625 : i32
    %scan3A_7 = arith.addi %scan3A_5, %scan3A_6 : i32
    %scan3A_8 = arith.constant 1 : i32
    %scan3A_9 = scf.for %scan3A_12 = %scan3A_5 to %scan3A_7 step %scan3A_8 iter_args(%scan3A_13 = %scan3A) -> (i32)  : i32 {
      %broadcast_in_dim3A = arith.constant 0.000000e+00 : f32
      %broadcast_in_dim3A_14 = vector.broadcast %broadcast_in_dim3A : f32 to vector<16xf32>
      %swap3A = arith.index_cast %scan3A_12 : i32 to index
      %swap3A_15 = arith.constant 0 : index
      %swap3A_16 = tpu.vector_load %arg6[%swap3A, %swap3A_15] {strides = array<i32>} : memref<5000x16xf32, #tpu.memory_space<vmem>>, vector<1x16xf32>,
      %swap3A_17 = vector.shape_cast %swap3A_16 : vector<1x16xf32> to vector<16xf32>
      %swap3A_18 = vector.shape_cast %broadcast_in_dim3A_14 : vector<16xf32> to vector<1x16xf32>
      tpu.vector_store %arg6[%swap3A, %swap3A_15], %swap3A_18 {strides = array<i32>} : memref<5000x16xf32, #tpu.memory_space<vmem>>, vector<1x16xf32>,
      %scan3A_19 = arith.constant 0 : i32
      scf.yield %scan3A_19 : i32
    }
    %scan3A_10 = arith.constant 625 : i32
    "tpu.region"() ({
      %run_scoped3A = tpu.sem_alloc : memref<!tpu.dma_semaphore, #tpu.memory_space<semaphore_mem>>
      %dma_start3A = arith.constant 0 : i32
      %dma_start3A_12 = arith.constant 0 : i32
      %dma_start3A_13 = tpu.memref_slice %arg6[%dma_start3A, %dma_start3A_12] : memref<5000x16xf32, #tpu.memory_space<vmem>> -> memref<625x16xf32, #tpu.memory_space<vmem>>
      %dma_start3A_14 = arith.constant 0 : i32
      %dma_start3A_15 = tpu.memref_slice %arg7[%mul3A_4, %dma_start3A_14] : memref<10000x16xf32, #tpu.memory_space<vmem_shared>> -> memref<625x16xf32, #tpu.memory_space<vmem_shared>>
      %dma_start3A_16 = arith.constant 0 : i32
      %dma_start3A_17 = tpu.memref_slice %arg7[%mul3A_4, %dma_start3A_16] : memref<10000x16xf32, #tpu.memory_space<vmem_shared>> -> memref<625x16xf32, #tpu.memory_space<vmem_shared>>
      %dma_start3A_18 = arith.constant 0 : i32
      %dma_start3A_19 = arith.constant 0 : i32
      %dma_start3A_20 = tpu.memref_slice %arg6[%dma_start3A_18, %dma_start3A_19] : memref<5000x16xf32, #tpu.memory_space<vmem>> -> memref<625x16xf32, #tpu.memory_space<vmem>>
      tpu.enqueue_dma source(%dma_start3A_20 : memref<625x16xf32, #tpu.memory_space<vmem>>) target(%dma_start3A_17 : memref<625x16xf32, #tpu.memory_space<vmem_shared>>) target_semaphore(%run_scoped3A : memref<!tpu.dma_semaphore, #tpu.memory_space<semaphore_mem>>)
      %dma_wait3A = arith.constant 0 : i32
      %dma_wait3A_21 = arith.constant 0 : i32
      %dma_wait3A_22 = tpu.memref_slice %arg6[%dma_wait3A, %dma_wait3A_21] : memref<5000x16xf32, #tpu.memory_space<vmem>> -> memref<625x16xf32, #tpu.memory_space<vmem>>
      %dma_wait3A_23 = arith.constant 0 : i32
      %dma_wait3A_24 = tpu.memref_slice %arg7[%mul3A_4, %dma_wait3A_23] : memref<10000x16xf32, #tpu.memory_space<vmem_shared>> -> memref<625x16xf32, #tpu.memory_space<vmem_shared>>
      %dma_wait3A_25 = arith.constant 0 : i32
      %dma_wait3A_26 = tpu.memref_slice %arg7[%mul3A_4, %dma_wait3A_25] : memref<10000x16xf32, #tpu.memory_space<vmem_shared>> -> memref<625x16xf32, #tpu.memory_space<vmem_shared>>
      %dma_wait3A_27 = arith.constant 0 : i32
      %dma_wait3A_28 = arith.constant 0 : i32
      %dma_wait3A_29 = tpu.memref_slice %arg6[%dma_wait3A_27, %dma_wait3A_28] : memref<5000x16xf32, #tpu.memory_space<vmem>> -> memref<625x16xf32, #tpu.memory_space<vmem>>
      tpu.wait_dma2 semaphore(%run_scoped3A : memref<!tpu.dma_semaphore, #tpu.memory_space<semaphore_mem>>) src(%dma_wait3A_29 : memref<625x16xf32, #tpu.memory_space<vmem>>) dst(%dma_wait3A_26 : memref<625x16xf32, #tpu.memory_space<vmem_shared>>)
      tpu.yield
    }) : () -> ()
    %barrier3A = arith.constant 0 : index
    tpu.barrier barrier_id(%barrier3A)
    "tpu.region"() ({
      %run_scoped3A = tpu.sem_alloc : memref<!tpu.dma_semaphore, #tpu.memory_space<semaphore_mem>>
      %dma_start3A = tpu.memref_slice %arg3[%mul3A_2] : memref<160000xi32, #tpu.memory_space<hbm>> -> memref<5000xi32, #tpu.memory_space<hbm>>
      %dma_start3A_12 = tpu.memref_slice %arg3[%mul3A_2] : memref<160000xi32, #tpu.memory_space<hbm>> -> memref<5000xi32, #tpu.memory_space<hbm>>
      tpu.enqueue_dma source(%dma_start3A_12 : memref<5000xi32, #tpu.memory_space<hbm>>) target(%arg5 : memref<5000xi32, #tpu.memory_space<vmem>>) target_semaphore(%run_scoped3A : memref<!tpu.dma_semaphore, #tpu.memory_space<semaphore_mem>>)
      %dma_wait3A = tpu.memref_slice %arg3[%mul3A_2] : memref<160000xi32, #tpu.memory_space<hbm>> -> memref<5000xi32, #tpu.memory_space<hbm>>
      %dma_wait3A_13 = tpu.memref_slice %arg3[%mul3A_2] : memref<160000xi32, #tpu.memory_space<hbm>> -> memref<5000xi32, #tpu.memory_space<hbm>>
      tpu.wait_dma2 semaphore(%run_scoped3A : memref<!tpu.dma_semaphore, #tpu.memory_space<semaphore_mem>>) src(%dma_wait3A_13 : memref<5000xi32, #tpu.memory_space<hbm>>) dst(%arg5 : memref<5000xi32, #tpu.memory_space<vmem>>)
      tpu.yield
    }) : () -> ()
    "tpu.region"() ({
      %run_scoped3A = tpu.sem_alloc : memref<!tpu.dma_semaphore, #tpu.memory_space<semaphore_mem>>
      %dma_start3A = arith.constant 0 : i32
      %dma_start3A_12 = tpu.memref_slice %arg2[%mul3A_2, %dma_start3A] : memref<160000x16xf32, #tpu.memory_space<hbm>> -> memref<5000x16xf32, #tpu.memory_space<hbm>>
      %dma_start3A_13 = arith.constant 0 : i32
      %dma_start3A_14 = tpu.memref_slice %arg2[%mul3A_2, %dma_start3A_13] : memref<160000x16xf32, #tpu.memory_space<hbm>> -> memref<5000x16xf32, #tpu.memory_space<hbm>>
      tpu.enqueue_dma source(%dma_start3A_14 : memref<5000x16xf32, #tpu.memory_space<hbm>>) target(%arg6 : memref<5000x16xf32, #tpu.memory_space<vmem>>) target_semaphore(%run_scoped3A : memref<!tpu.dma_semaphore, #tpu.memory_space<semaphore_mem>>)
      %dma_wait3A = arith.constant 0 : i32
      %dma_wait3A_15 = tpu.memref_slice %arg2[%mul3A_2, %dma_wait3A] : memref<160000x16xf32, #tpu.memory_space<hbm>> -> memref<5000x16xf32, #tpu.memory_space<hbm>>
      %dma_wait3A_16 = arith.constant 0 : i32
      %dma_wait3A_17 = tpu.memref_slice %arg2[%mul3A_2, %dma_wait3A_16] : memref<160000x16xf32, #tpu.memory_space<hbm>> -> memref<5000x16xf32, #tpu.memory_space<hbm>>
      tpu.wait_dma2 semaphore(%run_scoped3A : memref<!tpu.dma_semaphore, #tpu.memory_space<semaphore_mem>>) src(%dma_wait3A_17 : memref<5000x16xf32, #tpu.memory_space<hbm>>) dst(%arg6 : memref<5000x16xf32, #tpu.memory_space<vmem>>)
      tpu.yield
    }) : () -> ()
    "tpu.region"() ({
      %run_scoped3A = tpu.sem_alloc : memref<!tpu.dma_semaphore, #tpu.memory_space<semaphore_mem>>
      %dma_start3A = arith.constant 0 : i32
      %dma_start3A_12 = arith.constant 0 : i32
      %dma_start3A_13 = tpu.memref_slice %arg7[%dma_start3A, %dma_start3A_12] : memref<10000x16xf32, #tpu.memory_space<vmem_shared>> -> memref<10000x16xf32, #tpu.memory_space<vmem_shared>>
      tpu.enqueue_indirect_dma source(%arg6 : memref<5000x16xf32, #tpu.memory_space<vmem>>) target(%dma_start3A_13 : memref<10000x16xf32, #tpu.memory_space<vmem_shared>>) offsets(%arg5 : memref<5000xi32, #tpu.memory_space<vmem>>) semaphore(%run_scoped3A : memref<!tpu.dma_semaphore, #tpu.memory_space<semaphore_mem>>) {add = true}
      %dma_wait3A = arith.constant 0 : i32
      %dma_wait3A_14 = arith.constant 0 : i32
      %dma_wait3A_15 = tpu.memref_slice %arg7[%dma_wait3A, %dma_wait3A_14] : memref<10000x16xf32, #tpu.memory_space<vmem_shared>> -> memref<10000x16xf32, #tpu.memory_space<vmem_shared>>
      tpu.wait_indirect_dma semaphore(%run_scoped3A : memref<!tpu.dma_semaphore, #tpu.memory_space<semaphore_mem>>) src(%arg6 : memref<5000x16xf32, #tpu.memory_space<vmem>>) dst(%dma_wait3A_15 : memref<10000x16xf32, #tpu.memory_space<vmem_shared>>)
      tpu.yield
    }) : () -> ()
    %barrier3A_11 = arith.constant 0 : index
    tpu.barrier barrier_id(%barrier3A_11)
    "tpu.region"() ({
      %run_scoped3A = tpu.sem_alloc : memref<!tpu.dma_semaphore, #tpu.memory_space<semaphore_mem>>
      %dma_start3A = arith.constant 0 : i32
      %dma_start3A_12 = tpu.memref_slice %arg4[%arg0, %mul3A_4, %dma_start3A] : memref<2x10000x16xf32, #tpu.memory_space<hbm>> -> memref<1x625x16xf32, #tpu.memory_space<hbm>>
      %dma_start3A_13 = tpu.memref_squeeze %dma_start3A_12 : memref<1x625x16xf32, #tpu.memory_space<hbm>> -> memref<625x16xf32, #tpu.memory_space<hbm>>
      %dma_start3A_14 = arith.constant 0 : i32
      %dma_start3A_15 = tpu.memref_slice %arg7[%mul3A_4, %dma_start3A_14] : memref<10000x16xf32, #tpu.memory_space<vmem_shared>> -> memref<625x16xf32, #tpu.memory_space<vmem_shared>>
      tpu.enqueue_dma source(%dma_start3A_15 : memref<625x16xf32, #tpu.memory_space<vmem_shared>>) target(%dma_start3A_13 : memref<625x16xf32, #tpu.memory_space<hbm>>) target_semaphore(%run_scoped3A : memref<!tpu.dma_semaphore, #tpu.memory_space<semaphore_mem>>)
      %dma_wait3A = arith.constant 0 : i32
      %dma_wait3A_16 = tpu.memref_slice %arg4[%arg0, %mul3A_4, %dma_wait3A] : memref<2x10000x16xf32, #tpu.memory_space<hbm>> -> memref<1x625x16xf32, #tpu.memory_space<hbm>>
      %dma_wait3A_17 = tpu.memref_squeeze %dma_wait3A_16 : memref<1x625x16xf32, #tpu.memory_space<hbm>> -> memref<625x16xf32, #tpu.memory_space<hbm>>
      %dma_wait3A_18 = arith.constant 0 : i32
      %dma_wait3A_19 = tpu.memref_slice %arg7[%mul3A_4, %dma_wait3A_18] : memref<10000x16xf32, #tpu.memory_space<vmem_shared>> -> memref<625x16xf32, #tpu.memory_space<vmem_shared>>
      tpu.wait_dma2 semaphore(%run_scoped3A : memref<!tpu.dma_semaphore, #tpu.memory_space<semaphore_mem>>) src(%dma_wait3A_19 : memref<625x16xf32, #tpu.memory_space<vmem_shared>>) dst(%dma_wait3A_17 : memref<625x16xf32, #tpu.memory_space<hbm>>)
      tpu.yield
    }) : () -> ()
    return
  }
}

#map = affine_map<(d0, d1) -> (0, 0)>
#map1 = affine_map<(d0, d1) -> (0)>
module attributes {stable_mosaic.version = 14 : i64} {
  func.func @_gather_body(%arg0: i32, %arg1: i32, %arg2: memref<10000x16xf32, #tpu.memory_space<hbm>>, %arg3: memref<160000xi32, #tpu.memory_space<hbm>>, %arg4: memref<160000x16xf32, #tpu.memory_space<hbm>>, %arg5: memref<5000xi32, #tpu.memory_space<vmem>>, %arg6: memref<5000x16xf32, #tpu.memory_space<vmem>>, %arg7: memref<!tpu.dma_semaphore, #tpu.memory_space<semaphore_mem>>) attributes {dimension_semantics = [#tpu.dimension_semantics<core_parallel>, #tpu.dimension_semantics<subcore_parallel>], iteration_bounds = array<i64: 2, 16>, scalar_prefetch = 0 : i64, scratch_operands = 3 : i64, tpu.core_type = #tpu.core_type<sc_vector_subcore>, window_params = [{transform_indices = #map}, {transform_indices = #map1}, {transform_indices = #map}]} {
    %mul3A = arith.constant 2 : i32
    %mul3A_0 = arith.muli %arg1, %mul3A : i32
    %add3A = arith.addi %mul3A_0, %arg0 : i32
    %mul3A_1 = arith.constant 5000 : i32
    %mul3A_2 = arith.muli %add3A, %mul3A_1 : i32
    "tpu.region"() ({
      %run_scoped3A = tpu.sem_alloc : memref<!tpu.dma_semaphore, #tpu.memory_space<semaphore_mem>>
      %dma_start3A_7 = tpu.memref_slice %arg3[%mul3A_2] : memref<160000xi32, #tpu.memory_space<hbm>> -> memref<5000xi32, #tpu.memory_space<hbm>>
      %dma_start3A_8 = tpu.memref_slice %arg3[%mul3A_2] : memref<160000xi32, #tpu.memory_space<hbm>> -> memref<5000xi32, #tpu.memory_space<hbm>>
      tpu.enqueue_dma source(%dma_start3A_8 : memref<5000xi32, #tpu.memory_space<hbm>>) target(%arg5 : memref<5000xi32, #tpu.memory_space<vmem>>) target_semaphore(%run_scoped3A : memref<!tpu.dma_semaphore, #tpu.memory_space<semaphore_mem>>)
      %dma_wait3A_9 = tpu.memref_slice %arg3[%mul3A_2] : memref<160000xi32, #tpu.memory_space<hbm>> -> memref<5000xi32, #tpu.memory_space<hbm>>
      %dma_wait3A_10 = tpu.memref_slice %arg3[%mul3A_2] : memref<160000xi32, #tpu.memory_space<hbm>> -> memref<5000xi32, #tpu.memory_space<hbm>>
      tpu.wait_dma2 semaphore(%run_scoped3A : memref<!tpu.dma_semaphore, #tpu.memory_space<semaphore_mem>>) src(%dma_wait3A_10 : memref<5000xi32, #tpu.memory_space<hbm>>) dst(%arg5 : memref<5000xi32, #tpu.memory_space<vmem>>)
      tpu.yield
    }) : () -> ()
    %dma_start3A = arith.constant 0 : i32
    %dma_start3A_3 = arith.constant 0 : i32
    %dma_start3A_4 = tpu.memref_slice %arg2[%dma_start3A, %dma_start3A_3] : memref<10000x16xf32, #tpu.memory_space<hbm>> -> memref<10000x16xf32, #tpu.memory_space<hbm>>
    tpu.enqueue_indirect_dma source(%dma_start3A_4 : memref<10000x16xf32, #tpu.memory_space<hbm>>) target(%arg6 : memref<5000x16xf32, #tpu.memory_space<vmem>>) offsets(%arg5 : memref<5000xi32, #tpu.memory_space<vmem>>) semaphore(%arg7 : memref<!tpu.dma_semaphore, #tpu.memory_space<semaphore_mem>>)
    %dma_wait3A = arith.constant 0 : i32
    %dma_wait3A_5 = arith.constant 0 : i32
    %dma_wait3A_6 = tpu.memref_slice %arg2[%dma_wait3A, %dma_wait3A_5] : memref<10000x16xf32, #tpu.memory_space<hbm>> -> memref<10000x16xf32, #tpu.memory_space<hbm>>
    tpu.wait_indirect_dma semaphore(%arg7 : memref<!tpu.dma_semaphore, #tpu.memory_space<semaphore_mem>>) src(%dma_wait3A_6 : memref<10000x16xf32, #tpu.memory_space<hbm>>) dst(%arg6 : memref<5000x16xf32, #tpu.memory_space<vmem>>)
    "tpu.region"() ({
      %run_scoped3A = tpu.sem_alloc : memref<!tpu.dma_semaphore, #tpu.memory_space<semaphore_mem>>
      %dma_start3A_7 = arith.constant 0 : i32
      %dma_start3A_8 = tpu.memref_slice %arg4[%mul3A_2, %dma_start3A_7] : memref<160000x16xf32, #tpu.memory_space<hbm>> -> memref<5000x16xf32, #tpu.memory_space<hbm>>
      %dma_start3A_9 = arith.constant 0 : i32
      %dma_start3A_10 = tpu.memref_slice %arg4[%mul3A_2, %dma_start3A_9] : memref<160000x16xf32, #tpu.memory_space<hbm>> -> memref<5000x16xf32, #tpu.memory_space<hbm>>
      tpu.enqueue_dma source(%arg6 : memref<5000x16xf32, #tpu.memory_space<vmem>>) target(%dma_start3A_10 : memref<5000x16xf32, #tpu.memory_space<hbm>>) target_semaphore(%run_scoped3A : memref<!tpu.dma_semaphore, #tpu.memory_space<semaphore_mem>>)
      %dma_wait3A_11 = arith.constant 0 : i32
      %dma_wait3A_12 = tpu.memref_slice %arg4[%mul3A_2, %dma_wait3A_11] : memref<160000x16xf32, #tpu.memory_space<hbm>> -> memref<5000x16xf32, #tpu.memory_space<hbm>>
      %dma_wait3A_13 = arith.constant 0 : i32
      %dma_wait3A_14 = tpu.memref_slice %arg4[%mul3A_2, %dma_wait3A_13] : memref<160000x16xf32, #tpu.memory_space<hbm>> -> memref<5000x16xf32, #tpu.memory_space<hbm>>
      tpu.wait_dma2 semaphore(%run_scoped3A : memref<!tpu.dma_semaphore, #tpu.memory_space<semaphore_mem>>) src(%arg6 : memref<5000x16xf32, #tpu.memory_space<vmem>>) dst(%dma_wait3A_14 : memref<5000x16xf32, #tpu.memory_space<hbm>>)
      tpu.yield
    }) : () -> ()
    return
  }
}

#map = affine_map<(d0, d1) -> (0, 0)>
#map1 = affine_map<(d0, d1) -> (0)>
#map2 = affine_map<(d0, d1) -> (0, 0, 0)>
module attributes {stable_mosaic.version = 14 : i64} {
  func.func @_scatter_body(%arg0: i32, %arg1: i32, %arg2: memref<160000x16xf32, #tpu.memory_space<hbm>>, %arg3: memref<160000xi32, #tpu.memory_space<hbm>>, %arg4: memref<5000x16xf32, #tpu.memory_space<hbm>>, %arg5: memref<2x10000x16xf32, #tpu.memory_space<hbm>>, %arg6: memref<2x10000x16xf32, #tpu.memory_space<hbm>>, %arg7: memref<5000xi32, #tpu.memory_space<vmem>>, %arg8: memref<5000x16xf32, #tpu.memory_space<vmem>>, %arg9: memref<10000x16xf32, #tpu.memory_space<vmem_shared>>, %arg10: memref<10000x16xf32, #tpu.memory_space<vmem_shared>>) attributes {dimension_semantics = [#tpu.dimension_semantics<core_parallel>, #tpu.dimension_semantics<subcore_parallel>], iteration_bounds = array<i64: 2, 16>, scalar_prefetch = 0 : i64, scratch_operands = 4 : i64, tpu.core_type = #tpu.core_type<sc_vector_subcore>, window_params = [{transform_indices = #map}, {transform_indices = #map1}, {transform_indices = #map}, {transform_indices = #map2}, {transform_indices = #map2}]} {
    %mul3A = arith.constant 2 : i32
    %mul3A_0 = arith.muli %arg1, %mul3A : i32
    %add3A = arith.addi %mul3A_0, %arg0 : i32
    %mul3A_1 = arith.constant 5000 : i32
    %mul3A_2 = arith.muli %add3A, %mul3A_1 : i32
    %mul3A_3 = arith.constant 625 : i32
    %mul3A_4 = arith.muli %arg1, %mul3A_3 : i32
    %scan3A = arith.constant 0 : i32
    %scan3A_5 = arith.constant 0 : i32
    %scan3A_6 = arith.constant 625 : i32
    %scan3A_7 = arith.addi %scan3A_5, %scan3A_6 : i32
    %scan3A_8 = arith.constant 1 : i32
    %scan3A_9 = scf.for %scan3A_12 = %scan3A_5 to %scan3A_7 step %scan3A_8 iter_args(%scan3A_13 = %scan3A) -> (i32)  : i32 {
      %broadcast_in_dim3A = arith.constant 0.000000e+00 : f32
      %broadcast_in_dim3A_14 = vector.broadcast %broadcast_in_dim3A : f32 to vector<16xf32>
      %swap3A = arith.index_cast %scan3A_12 : i32 to index
      %swap3A_15 = arith.constant 0 : index
      %swap3A_16 = tpu.vector_load %arg8[%swap3A, %swap3A_15] {strides = array<i32>} : memref<5000x16xf32, #tpu.memory_space<vmem>>, vector<1x16xf32>,
      %swap3A_17 = vector.shape_cast %swap3A_16 : vector<1x16xf32> to vector<16xf32>
      %swap3A_18 = vector.shape_cast %broadcast_in_dim3A_14 : vector<16xf32> to vector<1x16xf32>
      tpu.vector_store %arg8[%swap3A, %swap3A_15], %swap3A_18 {strides = array<i32>} : memref<5000x16xf32, #tpu.memory_space<vmem>>, vector<1x16xf32>,
      %scan3A_19 = arith.constant 0 : i32
      scf.yield %scan3A_19 : i32
    }
    %scan3A_10 = arith.constant 625 : i32
    "tpu.region"() ({
      %run_scoped3A = tpu.sem_alloc : memref<!tpu.dma_semaphore, #tpu.memory_space<semaphore_mem>>
      %dma_start3A = arith.constant 0 : i32
      %dma_start3A_12 = arith.constant 0 : i32
      %dma_start3A_13 = tpu.memref_slice %arg8[%dma_start3A, %dma_start3A_12] : memref<5000x16xf32, #tpu.memory_space<vmem>> -> memref<625x16xf32, #tpu.memory_space<vmem>>
      %dma_start3A_14 = arith.constant 0 : i32
      %dma_start3A_15 = tpu.memref_slice %arg9[%mul3A_4, %dma_start3A_14] : memref<10000x16xf32, #tpu.memory_space<vmem_shared>> -> memref<625x16xf32, #tpu.memory_space<vmem_shared>>
      %dma_start3A_16 = arith.constant 0 : i32
      %dma_start3A_17 = tpu.memref_slice %arg9[%mul3A_4, %dma_start3A_16] : memref<10000x16xf32, #tpu.memory_space<vmem_shared>> -> memref<625x16xf32, #tpu.memory_space<vmem_shared>>
      %dma_start3A_18 = arith.constant 0 : i32
      %dma_start3A_19 = arith.constant 0 : i32
      %dma_start3A_20 = tpu.memref_slice %arg8[%dma_start3A_18, %dma_start3A_19] : memref<5000x16xf32, #tpu.memory_space<vmem>> -> memref<625x16xf32, #tpu.memory_space<vmem>>
      tpu.enqueue_dma source(%dma_start3A_20 : memref<625x16xf32, #tpu.memory_space<vmem>>) target(%dma_start3A_17 : memref<625x16xf32, #tpu.memory_space<vmem_shared>>) target_semaphore(%run_scoped3A : memref<!tpu.dma_semaphore, #tpu.memory_space<semaphore_mem>>)
      %dma_wait3A = arith.constant 0 : i32
      %dma_wait3A_21 = arith.constant 0 : i32
      %dma_wait3A_22 = tpu.memref_slice %arg8[%dma_wait3A, %dma_wait3A_21] : memref<5000x16xf32, #tpu.memory_space<vmem>> -> memref<625x16xf32, #tpu.memory_space<vmem>>
      %dma_wait3A_23 = arith.constant 0 : i32
      %dma_wait3A_24 = tpu.memref_slice %arg9[%mul3A_4, %dma_wait3A_23] : memref<10000x16xf32, #tpu.memory_space<vmem_shared>> -> memref<625x16xf32, #tpu.memory_space<vmem_shared>>
      %dma_wait3A_25 = arith.constant 0 : i32
      %dma_wait3A_26 = tpu.memref_slice %arg9[%mul3A_4, %dma_wait3A_25] : memref<10000x16xf32, #tpu.memory_space<vmem_shared>> -> memref<625x16xf32, #tpu.memory_space<vmem_shared>>
      %dma_wait3A_27 = arith.constant 0 : i32
      %dma_wait3A_28 = arith.constant 0 : i32
      %dma_wait3A_29 = tpu.memref_slice %arg8[%dma_wait3A_27, %dma_wait3A_28] : memref<5000x16xf32, #tpu.memory_space<vmem>> -> memref<625x16xf32, #tpu.memory_space<vmem>>
      tpu.wait_dma2 semaphore(%run_scoped3A : memref<!tpu.dma_semaphore, #tpu.memory_space<semaphore_mem>>) src(%dma_wait3A_29 : memref<625x16xf32, #tpu.memory_space<vmem>>) dst(%dma_wait3A_26 : memref<625x16xf32, #tpu.memory_space<vmem_shared>>)
      tpu.yield
    }) : () -> ()
    "tpu.region"() ({
      %run_scoped3A = tpu.sem_alloc : memref<!tpu.dma_semaphore, #tpu.memory_space<semaphore_mem>>
      %dma_start3A = arith.constant 0 : i32
      %dma_start3A_12 = arith.constant 0 : i32
      %dma_start3A_13 = tpu.memref_slice %arg8[%dma_start3A, %dma_start3A_12] : memref<5000x16xf32, #tpu.memory_space<vmem>> -> memref<625x16xf32, #tpu.memory_space<vmem>>
      %dma_start3A_14 = arith.constant 0 : i32
      %dma_start3A_15 = tpu.memref_slice %arg10[%mul3A_4, %dma_start3A_14] : memref<10000x16xf32, #tpu.memory_space<vmem_shared>> -> memref<625x16xf32, #tpu.memory_space<vmem_shared>>
      %dma_start3A_16 = arith.constant 0 : i32
      %dma_start3A_17 = tpu.memref_slice %arg10[%mul3A_4, %dma_start3A_16] : memref<10000x16xf32, #tpu.memory_space<vmem_shared>> -> memref<625x16xf32, #tpu.memory_space<vmem_shared>>
      %dma_start3A_18 = arith.constant 0 : i32
      %dma_start3A_19 = arith.constant 0 : i32
      %dma_start3A_20 = tpu.memref_slice %arg8[%dma_start3A_18, %dma_start3A_19] : memref<5000x16xf32, #tpu.memory_space<vmem>> -> memref<625x16xf32, #tpu.memory_space<vmem>>
      tpu.enqueue_dma source(%dma_start3A_20 : memref<625x16xf32, #tpu.memory_space<vmem>>) target(%dma_start3A_17 : memref<625x16xf32, #tpu.memory_space<vmem_shared>>) target_semaphore(%run_scoped3A : memref<!tpu.dma_semaphore, #tpu.memory_space<semaphore_mem>>)
      %dma_wait3A = arith.constant 0 : i32
      %dma_wait3A_21 = arith.constant 0 : i32
      %dma_wait3A_22 = tpu.memref_slice %arg8[%dma_wait3A, %dma_wait3A_21] : memref<5000x16xf32, #tpu.memory_space<vmem>> -> memref<625x16xf32, #tpu.memory_space<vmem>>
      %dma_wait3A_23 = arith.constant 0 : i32
      %dma_wait3A_24 = tpu.memref_slice %arg10[%mul3A_4, %dma_wait3A_23] : memref<10000x16xf32, #tpu.memory_space<vmem_shared>> -> memref<625x16xf32, #tpu.memory_space<vmem_shared>>
      %dma_wait3A_25 = arith.constant 0 : i32
      %dma_wait3A_26 = tpu.memref_slice %arg10[%mul3A_4, %dma_wait3A_25] : memref<10000x16xf32, #tpu.memory_space<vmem_shared>> -> memref<625x16xf32, #tpu.memory_space<vmem_shared>>
      %dma_wait3A_27 = arith.constant 0 : i32
      %dma_wait3A_28 = arith.constant 0 : i32
      %dma_wait3A_29 = tpu.memref_slice %arg8[%dma_wait3A_27, %dma_wait3A_28] : memref<5000x16xf32, #tpu.memory_space<vmem>> -> memref<625x16xf32, #tpu.memory_space<vmem>>
      tpu.wait_dma2 semaphore(%run_scoped3A : memref<!tpu.dma_semaphore, #tpu.memory_space<semaphore_mem>>) src(%dma_wait3A_29 : memref<625x16xf32, #tpu.memory_space<vmem>>) dst(%dma_wait3A_26 : memref<625x16xf32, #tpu.memory_space<vmem_shared>>)
      tpu.yield
    }) : () -> ()
    %barrier3A = arith.constant 0 : index
    tpu.barrier barrier_id(%barrier3A)
    "tpu.region"() ({
      %run_scoped3A = tpu.sem_alloc : memref<!tpu.dma_semaphore, #tpu.memory_space<semaphore_mem>>
      %dma_start3A = tpu.memref_slice %arg3[%mul3A_2] : memref<160000xi32, #tpu.memory_space<hbm>> -> memref<5000xi32, #tpu.memory_space<hbm>>
      %dma_start3A_12 = tpu.memref_slice %arg3[%mul3A_2] : memref<160000xi32, #tpu.memory_space<hbm>> -> memref<5000xi32, #tpu.memory_space<hbm>>
      tpu.enqueue_dma source(%dma_start3A_12 : memref<5000xi32, #tpu.memory_space<hbm>>) target(%arg7 : memref<5000xi32, #tpu.memory_space<vmem>>) target_semaphore(%run_scoped3A : memref<!tpu.dma_semaphore, #tpu.memory_space<semaphore_mem>>)
      %dma_wait3A = tpu.memref_slice %arg3[%mul3A_2] : memref<160000xi32, #tpu.memory_space<hbm>> -> memref<5000xi32, #tpu.memory_space<hbm>>
      %dma_wait3A_13 = tpu.memref_slice %arg3[%mul3A_2] : memref<160000xi32, #tpu.memory_space<hbm>> -> memref<5000xi32, #tpu.memory_space<hbm>>
      tpu.wait_dma2 semaphore(%run_scoped3A : memref<!tpu.dma_semaphore, #tpu.memory_space<semaphore_mem>>) src(%dma_wait3A_13 : memref<5000xi32, #tpu.memory_space<hbm>>) dst(%arg7 : memref<5000xi32, #tpu.memory_space<vmem>>)
      tpu.yield
    }) : () -> ()
    "tpu.region"() ({
      %run_scoped3A = tpu.sem_alloc : memref<!tpu.dma_semaphore, #tpu.memory_space<semaphore_mem>>
      tpu.enqueue_dma source(%arg4 : memref<5000x16xf32, #tpu.memory_space<hbm>>) target(%arg8 : memref<5000x16xf32, #tpu.memory_space<vmem>>) target_semaphore(%run_scoped3A : memref<!tpu.dma_semaphore, #tpu.memory_space<semaphore_mem>>)
      tpu.wait_dma2 semaphore(%run_scoped3A : memref<!tpu.dma_semaphore, #tpu.memory_space<semaphore_mem>>) src(%arg4 : memref<5000x16xf32, #tpu.memory_space<hbm>>) dst(%arg8 : memref<5000x16xf32, #tpu.memory_space<vmem>>)
      tpu.yield
    }) : () -> ()
    "tpu.region"() ({
      %run_scoped3A = tpu.sem_alloc : memref<!tpu.dma_semaphore, #tpu.memory_space<semaphore_mem>>
      %dma_start3A = arith.constant 0 : i32
      %dma_start3A_12 = arith.constant 0 : i32
      %dma_start3A_13 = tpu.memref_slice %arg10[%dma_start3A, %dma_start3A_12] : memref<10000x16xf32, #tpu.memory_space<vmem_shared>> -> memref<10000x16xf32, #tpu.memory_space<vmem_shared>>
      tpu.enqueue_indirect_dma source(%arg8 : memref<5000x16xf32, #tpu.memory_space<vmem>>) target(%dma_start3A_13 : memref<10000x16xf32, #tpu.memory_space<vmem_shared>>) offsets(%arg7 : memref<5000xi32, #tpu.memory_space<vmem>>) semaphore(%run_scoped3A : memref<!tpu.dma_semaphore, #tpu.memory_space<semaphore_mem>>) {add = true}
      %dma_wait3A = arith.constant 0 : i32
      %dma_wait3A_14 = arith.constant 0 : i32
      %dma_wait3A_15 = tpu.memref_slice %arg10[%dma_wait3A, %dma_wait3A_14] : memref<10000x16xf32, #tpu.memory_space<vmem_shared>> -> memref<10000x16xf32, #tpu.memory_space<vmem_shared>>
      tpu.wait_indirect_dma semaphore(%run_scoped3A : memref<!tpu.dma_semaphore, #tpu.memory_space<semaphore_mem>>) src(%arg8 : memref<5000x16xf32, #tpu.memory_space<vmem>>) dst(%dma_wait3A_15 : memref<10000x16xf32, #tpu.memory_space<vmem_shared>>)
      tpu.yield
    }) : () -> ()
    "tpu.region"() ({
      %run_scoped3A = tpu.sem_alloc : memref<!tpu.dma_semaphore, #tpu.memory_space<semaphore_mem>>
      %dma_start3A = arith.constant 0 : i32
      %dma_start3A_12 = tpu.memref_slice %arg2[%mul3A_2, %dma_start3A] : memref<160000x16xf32, #tpu.memory_space<hbm>> -> memref<5000x16xf32, #tpu.memory_space<hbm>>
      %dma_start3A_13 = arith.constant 0 : i32
      %dma_start3A_14 = tpu.memref_slice %arg2[%mul3A_2, %dma_start3A_13] : memref<160000x16xf32, #tpu.memory_space<hbm>> -> memref<5000x16xf32, #tpu.memory_space<hbm>>
      tpu.enqueue_dma source(%dma_start3A_14 : memref<5000x16xf32, #tpu.memory_space<hbm>>) target(%arg8 : memref<5000x16xf32, #tpu.memory_space<vmem>>) target_semaphore(%run_scoped3A : memref<!tpu.dma_semaphore, #tpu.memory_space<semaphore_mem>>)
      %dma_wait3A = arith.constant 0 : i32
      %dma_wait3A_15 = tpu.memref_slice %arg2[%mul3A_2, %dma_wait3A] : memref<160000x16xf32, #tpu.memory_space<hbm>> -> memref<5000x16xf32, #tpu.memory_space<hbm>>
      %dma_wait3A_16 = arith.constant 0 : i32
      %dma_wait3A_17 = tpu.memref_slice %arg2[%mul3A_2, %dma_wait3A_16] : memref<160000x16xf32, #tpu.memory_space<hbm>> -> memref<5000x16xf32, #tpu.memory_space<hbm>>
      tpu.wait_dma2 semaphore(%run_scoped3A : memref<!tpu.dma_semaphore, #tpu.memory_space<semaphore_mem>>) src(%dma_wait3A_17 : memref<5000x16xf32, #tpu.memory_space<hbm>>) dst(%arg8 : memref<5000x16xf32, #tpu.memory_space<vmem>>)
      tpu.yield
    }) : () -> ()
    "tpu.region"() ({
      %run_scoped3A = tpu.sem_alloc : memref<!tpu.dma_semaphore, #tpu.memory_space<semaphore_mem>>
      %dma_start3A = arith.constant 0 : i32
      %dma_start3A_12 = arith.constant 0 : i32
      %dma_start3A_13 = tpu.memref_slice %arg9[%dma_start3A, %dma_start3A_12] : memref<10000x16xf32, #tpu.memory_space<vmem_shared>> -> memref<10000x16xf32, #tpu.memory_space<vmem_shared>>
      tpu.enqueue_indirect_dma source(%arg8 : memref<5000x16xf32, #tpu.memory_space<vmem>>) target(%dma_start3A_13 : memref<10000x16xf32, #tpu.memory_space<vmem_shared>>) offsets(%arg7 : memref<5000xi32, #tpu.memory_space<vmem>>) semaphore(%run_scoped3A : memref<!tpu.dma_semaphore, #tpu.memory_space<semaphore_mem>>) {add = true}
      %dma_wait3A = arith.constant 0 : i32
      %dma_wait3A_14 = arith.constant 0 : i32
      %dma_wait3A_15 = tpu.memref_slice %arg9[%dma_wait3A, %dma_wait3A_14] : memref<10000x16xf32, #tpu.memory_space<vmem_shared>> -> memref<10000x16xf32, #tpu.memory_space<vmem_shared>>
      tpu.wait_indirect_dma semaphore(%run_scoped3A : memref<!tpu.dma_semaphore, #tpu.memory_space<semaphore_mem>>) src(%arg8 : memref<5000x16xf32, #tpu.memory_space<vmem>>) dst(%dma_wait3A_15 : memref<10000x16xf32, #tpu.memory_space<vmem_shared>>)
      tpu.yield
    }) : () -> ()
    %barrier3A_11 = arith.constant 0 : index
    tpu.barrier barrier_id(%barrier3A_11)
    "tpu.region"() ({
      %run_scoped3A = tpu.sem_alloc : memref<!tpu.dma_semaphore, #tpu.memory_space<semaphore_mem>>
      %dma_start3A = arith.constant 0 : i32
      %dma_start3A_12 = tpu.memref_slice %arg5[%arg0, %mul3A_4, %dma_start3A] : memref<2x10000x16xf32, #tpu.memory_space<hbm>> -> memref<1x625x16xf32, #tpu.memory_space<hbm>>
      %dma_start3A_13 = tpu.memref_squeeze %dma_start3A_12 : memref<1x625x16xf32, #tpu.memory_space<hbm>> -> memref<625x16xf32, #tpu.memory_space<hbm>>
      %dma_start3A_14 = arith.constant 0 : i32
      %dma_start3A_15 = tpu.memref_slice %arg9[%mul3A_4, %dma_start3A_14] : memref<10000x16xf32, #tpu.memory_space<vmem_shared>> -> memref<625x16xf32, #tpu.memory_space<vmem_shared>>
      tpu.enqueue_dma source(%dma_start3A_15 : memref<625x16xf32, #tpu.memory_space<vmem_shared>>) target(%dma_start3A_13 : memref<625x16xf32, #tpu.memory_space<hbm>>) target_semaphore(%run_scoped3A : memref<!tpu.dma_semaphore, #tpu.memory_space<semaphore_mem>>)
      %dma_wait3A = arith.constant 0 : i32
      %dma_wait3A_16 = tpu.memref_slice %arg5[%arg0, %mul3A_4, %dma_wait3A] : memref<2x10000x16xf32, #tpu.memory_space<hbm>> -> memref<1x625x16xf32, #tpu.memory_space<hbm>>
      %dma_wait3A_17 = tpu.memref_squeeze %dma_wait3A_16 : memref<1x625x16xf32, #tpu.memory_space<hbm>> -> memref<625x16xf32, #tpu.memory_space<hbm>>
      %dma_wait3A_18 = arith.constant 0 : i32
      %dma_wait3A_19 = tpu.memref_slice %arg9[%mul3A_4, %dma_wait3A_18] : memref<10000x16xf32, #tpu.memory_space<vmem_shared>> -> memref<625x16xf32, #tpu.memory_space<vmem_shared>>
      tpu.wait_dma2 semaphore(%run_scoped3A : memref<!tpu.dma_semaphore, #tpu.memory_space<semaphore_mem>>) src(%dma_wait3A_19 : memref<625x16xf32, #tpu.memory_space<vmem_shared>>) dst(%dma_wait3A_17 : memref<625x16xf32, #tpu.memory_space<hbm>>)
      tpu.yield
    }) : () -> ()
    "tpu.region"() ({
      %run_scoped3A = tpu.sem_alloc : memref<!tpu.dma_semaphore, #tpu.memory_space<semaphore_mem>>
      %dma_start3A = arith.constant 0 : i32
      %dma_start3A_12 = tpu.memref_slice %arg6[%arg0, %mul3A_4, %dma_start3A] : memref<2x10000x16xf32, #tpu.memory_space<hbm>> -> memref<1x625x16xf32, #tpu.memory_space<hbm>>
      %dma_start3A_13 = tpu.memref_squeeze %dma_start3A_12 : memref<1x625x16xf32, #tpu.memory_space<hbm>> -> memref<625x16xf32, #tpu.memory_space<hbm>>
      %dma_start3A_14 = arith.constant 0 : i32
      %dma_start3A_15 = tpu.memref_slice %arg10[%mul3A_4, %dma_start3A_14] : memref<10000x16xf32, #tpu.memory_space<vmem_shared>> -> memref<625x16xf32, #tpu.memory_space<vmem_shared>>
      tpu.enqueue_dma source(%dma_start3A_15 : memref<625x16xf32, #tpu.memory_space<vmem_shared>>) target(%dma_start3A_13 : memref<625x16xf32, #tpu.memory_space<hbm>>) target_semaphore(%run_scoped3A : memref<!tpu.dma_semaphore, #tpu.memory_space<semaphore_mem>>)
      %dma_wait3A = arith.constant 0 : i32
      %dma_wait3A_16 = tpu.memref_slice %arg6[%arg0, %mul3A_4, %dma_wait3A] : memref<2x10000x16xf32, #tpu.memory_space<hbm>> -> memref<1x625x16xf32, #tpu.memory_space<hbm>>
      %dma_wait3A_17 = tpu.memref_squeeze %dma_wait3A_16 : memref<1x625x16xf32, #tpu.memory_space<hbm>> -> memref<625x16xf32, #tpu.memory_space<hbm>>
      %dma_wait3A_18 = arith.constant 0 : i32
      %dma_wait3A_19 = tpu.memref_slice %arg10[%mul3A_4, %dma_wait3A_18] : memref<10000x16xf32, #tpu.memory_space<vmem_shared>> -> memref<625x16xf32, #tpu.memory_space<vmem_shared>>
      tpu.wait_dma2 semaphore(%run_scoped3A : memref<!tpu.dma_semaphore, #tpu.memory_space<semaphore_mem>>) src(%dma_wait3A_19 : memref<625x16xf32, #tpu.memory_space<vmem_shared>>) dst(%dma_wait3A_17 : memref<625x16xf32, #tpu.memory_space<hbm>>)
      tpu.yield
    }) : () -> ()
    return
  }
}

#map = affine_map<(d0, d1) -> (0, 0)>
#map1 = affine_map<(d0, d1) -> (0)>
module attributes {stable_mosaic.version = 14 : i64} {
  func.func @_gather_body(%arg0: i32, %arg1: i32, %arg2: memref<10000x16xf32, #tpu.memory_space<hbm>>, %arg3: memref<160000xi32, #tpu.memory_space<hbm>>, %arg4: memref<160000x16xf32, #tpu.memory_space<hbm>>, %arg5: memref<5000xi32, #tpu.memory_space<vmem>>, %arg6: memref<5000x16xf32, #tpu.memory_space<vmem>>, %arg7: memref<!tpu.dma_semaphore, #tpu.memory_space<semaphore_mem>>) attributes {dimension_semantics = [#tpu.dimension_semantics<core_parallel>, #tpu.dimension_semantics<subcore_parallel>], iteration_bounds = array<i64: 2, 16>, scalar_prefetch = 0 : i64, scratch_operands = 3 : i64, tpu.core_type = #tpu.core_type<sc_vector_subcore>, window_params = [{transform_indices = #map}, {transform_indices = #map1}, {transform_indices = #map}]} {
    %mul3A = arith.constant 2 : i32
    %mul3A_0 = arith.muli %arg1, %mul3A : i32
    %add3A = arith.addi %mul3A_0, %arg0 : i32
    %mul3A_1 = arith.constant 5000 : i32
    %mul3A_2 = arith.muli %add3A, %mul3A_1 : i32
    "tpu.region"() ({
      %run_scoped3A = tpu.sem_alloc : memref<!tpu.dma_semaphore, #tpu.memory_space<semaphore_mem>>
      %dma_start3A_7 = tpu.memref_slice %arg3[%mul3A_2] : memref<160000xi32, #tpu.memory_space<hbm>> -> memref<5000xi32, #tpu.memory_space<hbm>>
      %dma_start3A_8 = tpu.memref_slice %arg3[%mul3A_2] : memref<160000xi32, #tpu.memory_space<hbm>> -> memref<5000xi32, #tpu.memory_space<hbm>>
      tpu.enqueue_dma source(%dma_start3A_8 : memref<5000xi32, #tpu.memory_space<hbm>>) target(%arg5 : memref<5000xi32, #tpu.memory_space<vmem>>) target_semaphore(%run_scoped3A : memref<!tpu.dma_semaphore, #tpu.memory_space<semaphore_mem>>)
      %dma_wait3A_9 = tpu.memref_slice %arg3[%mul3A_2] : memref<160000xi32, #tpu.memory_space<hbm>> -> memref<5000xi32, #tpu.memory_space<hbm>>
      %dma_wait3A_10 = tpu.memref_slice %arg3[%mul3A_2] : memref<160000xi32, #tpu.memory_space<hbm>> -> memref<5000xi32, #tpu.memory_space<hbm>>
      tpu.wait_dma2 semaphore(%run_scoped3A : memref<!tpu.dma_semaphore, #tpu.memory_space<semaphore_mem>>) src(%dma_wait3A_10 : memref<5000xi32, #tpu.memory_space<hbm>>) dst(%arg5 : memref<5000xi32, #tpu.memory_space<vmem>>)
      tpu.yield
    }) : () -> ()
    %dma_start3A = arith.constant 0 : i32
    %dma_start3A_3 = arith.constant 0 : i32
    %dma_start3A_4 = tpu.memref_slice %arg2[%dma_start3A, %dma_start3A_3] : memref<10000x16xf32, #tpu.memory_space<hbm>> -> memref<10000x16xf32, #tpu.memory_space<hbm>>
    tpu.enqueue_indirect_dma source(%dma_start3A_4 : memref<10000x16xf32, #tpu.memory_space<hbm>>) target(%arg6 : memref<5000x16xf32, #tpu.memory_space<vmem>>) offsets(%arg5 : memref<5000xi32, #tpu.memory_space<vmem>>) semaphore(%arg7 : memref<!tpu.dma_semaphore, #tpu.memory_space<semaphore_mem>>)
    %dma_wait3A = arith.constant 0 : i32
    %dma_wait3A_5 = arith.constant 0 : i32
    %dma_wait3A_6 = tpu.memref_slice %arg2[%dma_wait3A, %dma_wait3A_5] : memref<10000x16xf32, #tpu.memory_space<hbm>> -> memref<10000x16xf32, #tpu.memory_space<hbm>>
    tpu.wait_indirect_dma semaphore(%arg7 : memref<!tpu.dma_semaphore, #tpu.memory_space<semaphore_mem>>) src(%dma_wait3A_6 : memref<10000x16xf32, #tpu.memory_space<hbm>>) dst(%arg6 : memref<5000x16xf32, #tpu.memory_space<vmem>>)
    "tpu.region"() ({
      %run_scoped3A = tpu.sem_alloc : memref<!tpu.dma_semaphore, #tpu.memory_space<semaphore_mem>>
      %dma_start3A_7 = arith.constant 0 : i32
      %dma_start3A_8 = tpu.memref_slice %arg4[%mul3A_2, %dma_start3A_7] : memref<160000x16xf32, #tpu.memory_space<hbm>> -> memref<5000x16xf32, #tpu.memory_space<hbm>>
      %dma_start3A_9 = arith.constant 0 : i32
      %dma_start3A_10 = tpu.memref_slice %arg4[%mul3A_2, %dma_start3A_9] : memref<160000x16xf32, #tpu.memory_space<hbm>> -> memref<5000x16xf32, #tpu.memory_space<hbm>>
      tpu.enqueue_dma source(%arg6 : memref<5000x16xf32, #tpu.memory_space<vmem>>) target(%dma_start3A_10 : memref<5000x16xf32, #tpu.memory_space<hbm>>) target_semaphore(%run_scoped3A : memref<!tpu.dma_semaphore, #tpu.memory_space<semaphore_mem>>)
      %dma_wait3A_11 = arith.constant 0 : i32
      %dma_wait3A_12 = tpu.memref_slice %arg4[%mul3A_2, %dma_wait3A_11] : memref<160000x16xf32, #tpu.memory_space<hbm>> -> memref<5000x16xf32, #tpu.memory_space<hbm>>
      %dma_wait3A_13 = arith.constant 0 : i32
      %dma_wait3A_14 = tpu.memref_slice %arg4[%mul3A_2, %dma_wait3A_13] : memref<160000x16xf32, #tpu.memory_space<hbm>> -> memref<5000x16xf32, #tpu.memory_space<hbm>>
      tpu.wait_dma2 semaphore(%run_scoped3A : memref<!tpu.dma_semaphore, #tpu.memory_space<semaphore_mem>>) src(%arg6 : memref<5000x16xf32, #tpu.memory_space<vmem>>) dst(%dma_wait3A_14 : memref<5000x16xf32, #tpu.memory_space<hbm>>)
      tpu.yield
    }) : () -> ()
    return
  }
}

module attributes {stable_mosaic.version = 14 : i64} {
  func.func @_pre_body(%arg0: memref<10000x128xf32, #tpu.memory_space<vmem>>, %arg1: memref<128x16xf32, #tpu.memory_space<vmem>>, %arg2: memref<1x16xf32, #tpu.memory_space<vmem>>, %arg3: memref<16x16xf32, #tpu.memory_space<vmem>>, %arg4: memref<1x16xf32, #tpu.memory_space<vmem>>, %arg5: memref<10000x16xf32, #tpu.memory_space<vmem>>, %arg6: memref<10000x16xf32, #tpu.memory_space<vmem>>) attributes {dimension_semantics = [], scalar_prefetch = 0 : i64, scratch_operands = 0 : i64, tpu.core_type = #tpu.core_type<tc>} {
    %get3A = arith.constant 0 : index
    %get3A_0 = arith.constant 0 : index
    %get3A_1 = vector.load %arg0[%get3A, %get3A_0] : memref<10000x128xf32, #tpu.memory_space<vmem>>, vector<10000x128xf32>
    %get3A_2 = arith.constant 0 : index
    %get3A_3 = arith.constant 0 : index
    %get3A_4 = vector.load %arg1[%get3A_2, %get3A_3] : memref<128x16xf32, #tpu.memory_space<vmem>>, vector<128x16xf32>
    %dot_general3A = arith.constant dense<0.000000e+00> : vector<10000x16xf32>
    %dot_general3A_5 = tpu.matmul %get3A_1, %get3A_4, %dot_general3A {dimension_numbers = #tpu.dot_dimension_numbers<[1], [0], [0], [1], [0, 0, 1, 1], [], []>, transpose_lhs_hint = false} : vector<10000x128xf32>, vector<128x16xf32>, vector<10000x16xf32> -> vector<10000x16xf32>
    %get3A_6 = arith.constant 0 : index
    %get3A_7 = arith.constant 0 : index
    %get3A_8 = vector.load %arg2[%get3A_6, %get3A_7] : memref<1x16xf32, #tpu.memory_space<vmem>>, vector<1x16xf32>
    %add3A = vector.broadcast %get3A_8 : vector<1x16xf32> to vector<10000x16xf32>
    %add3A_9 = arith.addf %dot_general3A_5, %add3A : vector<10000x16xf32>
    %swap3A = arith.constant 0 : index
    %swap3A_10 = arith.constant 0 : index
    %swap3A_11 = vector.load %arg5[%swap3A, %swap3A_10] : memref<10000x16xf32, #tpu.memory_space<vmem>>, vector<10000x16xf32>
    tpu.vector_store %arg5[%swap3A, %swap3A_10], %add3A_9 {strides = array<i32>} : memref<10000x16xf32, #tpu.memory_space<vmem>>, vector<10000x16xf32>,
    %get3A_12 = arith.constant 0 : index
    %get3A_13 = arith.constant 0 : index
    %get3A_14 = vector.load %arg3[%get3A_12, %get3A_13] : memref<16x16xf32, #tpu.memory_space<vmem>>, vector<16x16xf32>
    %dot_general3A_15 = arith.constant dense<0.000000e+00> : vector<10000x16xf32>
    %dot_general3A_16 = tpu.matmul %add3A_9, %get3A_14, %dot_general3A_15 {dimension_numbers = #tpu.dot_dimension_numbers<[1], [0], [0], [1], [0, 0, 1, 1], [], []>, transpose_lhs_hint = false} : vector<10000x16xf32>, vector<16x16xf32>, vector<10000x16xf32> -> vector<10000x16xf32>
    %get3A_17 = arith.constant 0 : index
    %get3A_18 = arith.constant 0 : index
    %get3A_19 = vector.load %arg4[%get3A_17, %get3A_18] : memref<1x16xf32, #tpu.memory_space<vmem>>, vector<1x16xf32>
    %add3A_20 = vector.broadcast %get3A_19 : vector<1x16xf32> to vector<10000x16xf32>
    %add3A_21 = arith.addf %dot_general3A_16, %add3A_20 : vector<10000x16xf32>
    %swap3A_22 = arith.constant 0 : index
    %swap3A_23 = arith.constant 0 : index
    %swap3A_24 = vector.load %arg6[%swap3A_22, %swap3A_23] : memref<10000x16xf32, #tpu.memory_space<vmem>>, vector<10000x16xf32>
    tpu.vector_store %arg6[%swap3A_22, %swap3A_23], %add3A_21 {strides = array<i32>} : memref<10000x16xf32, #tpu.memory_space<vmem>>, vector<10000x16xf32>,
    return
  }
}

module attributes {stable_mosaic.version = 14 : i64} {
  func.func @_msg_body(%arg0: i32, %arg1: memref<3200x1xf32, #tpu.memory_space<vmem>>, %arg2: memref<400x128xf32, #tpu.memory_space<vmem>>, %arg3: memref<1x32xf32, #tpu.memory_space<vmem>>, %arg4: memref<1x32xf32, #tpu.memory_space<vmem>>, %arg5: memref<32x64xf32, #tpu.memory_space<vmem>>, %arg6: memref<1x64xf32, #tpu.memory_space<vmem>>, %arg7: memref<64x128xf32, #tpu.memory_space<vmem>>, %arg8: memref<1x128xf32, #tpu.memory_space<vmem>>, %arg9: memref<128x256xf32, #tpu.memory_space<vmem>>, %arg10: memref<1x256xf32, #tpu.memory_space<vmem>>, %arg11: memref<16x256xf32, #tpu.memory_space<vmem>>, %arg12: memref<256x16xf32, #tpu.memory_space<vmem>>, %arg13: memref<400x128xf32, #tpu.memory_space<vmem>>) attributes {dimension_semantics = [#tpu.dimension_semantics<arbitrary>], iteration_bounds = array<i64: 50>, scalar_prefetch = 0 : i64, scratch_operands = 0 : i64, tpu.core_type = #tpu.core_type<tc>, window_params = [{transform_indices = @transform_0, window_bounds = array<i64: 3200, 1>}, {transform_indices = @transform_1, window_bounds = array<i64: 400, 128>}, {pipeline_mode = #tpu.pipeline_mode<synchronous>, transform_indices = @transform_2, window_bounds = array<i64: 1, 32>}, {pipeline_mode = #tpu.pipeline_mode<synchronous>, transform_indices = @transform_3, window_bounds = array<i64: 1, 32>}, {pipeline_mode = #tpu.pipeline_mode<synchronous>, transform_indices = @transform_4, window_bounds = array<i64: 32, 64>}, {pipeline_mode = #tpu.pipeline_mode<synchronous>, transform_indices = @transform_5, window_bounds = array<i64: 1, 64>}, {pipeline_mode = #tpu.pipeline_mode<synchronous>, transform_indices = @transform_6, window_bounds = array<i64: 64, 128>}, {pipeline_mode = #tpu.pipeline_mode<synchronous>, transform_indices = @transform_7, window_bounds = array<i64: 1, 128>}, {pipeline_mode = #tpu.pipeline_mode<synchronous>, transform_indices = @transform_8, window_bounds = array<i64: 128, 256>}, {pipeline_mode = #tpu.pipeline_mode<synchronous>, transform_indices = @transform_9, window_bounds = array<i64: 1, 256>}, {pipeline_mode = #tpu.pipeline_mode<synchronous>, transform_indices = @transform_10, window_bounds = array<i64: 16, 256>}, {pipeline_mode = #tpu.pipeline_mode<synchronous>, transform_indices = @transform_11, window_bounds = array<i64: 256, 16>}, {transform_indices = @transform_12, window_bounds = array<i64: 400, 128>}]} {
    %get3A = arith.constant 0 : index
    %get3A_0 = arith.constant 0 : index
    %get3A_1 = vector.load %arg1[%get3A, %get3A_0] : memref<3200x1xf32, #tpu.memory_space<vmem>>, vector<3200x1xf32>
    %get3A_2 = arith.constant 0 : index
    %get3A_3 = arith.constant 0 : index
    %get3A_4 = vector.load %arg3[%get3A_2, %get3A_3] : memref<1x32xf32, #tpu.memory_space<vmem>>, vector<1x32xf32>
    %mul3A = vector.broadcast %get3A_1 : vector<3200x1xf32> to vector<3200x32xf32>
    %mul3A_5 = vector.broadcast %get3A_4 : vector<1x32xf32> to vector<3200x32xf32>
    %mul3A_6 = arith.mulf %mul3A, %mul3A_5 : vector<3200x32xf32>
    %get3A_7 = arith.constant 0 : index
    %get3A_8 = arith.constant 0 : index
    %get3A_9 = vector.load %arg4[%get3A_7, %get3A_8] : memref<1x32xf32, #tpu.memory_space<vmem>>, vector<1x32xf32>
    %add3A = vector.broadcast %get3A_9 : vector<1x32xf32> to vector<3200x32xf32>
    %add3A_10 = arith.addf %mul3A_6, %add3A : vector<3200x32xf32>
    %gt3A = arith.constant 0.000000e+00 : f32
    %gt3A_11 = vector.broadcast %gt3A : f32 to vector<3200x32xf32>
    %gt3A_12 = arith.cmpf ogt, %add3A_10, %gt3A_11 : vector<3200x32xf32>
    %mul3A_13 = arith.constant 0.00999999977 : f32
    %mul3A_14 = vector.broadcast %mul3A_13 : f32 to vector<3200x32xf32>
    %mul3A_15 = arith.mulf %mul3A_14, %add3A_10 : vector<3200x32xf32>
    %select_n3A = arith.select %gt3A_12, %add3A_10, %mul3A_15 : vector<3200x32xi1>, vector<3200x32xf32>
    %get3A_16 = arith.constant 0 : index
    %get3A_17 = arith.constant 0 : index
    %get3A_18 = vector.load %arg5[%get3A_16, %get3A_17] : memref<32x64xf32, #tpu.memory_space<vmem>>, vector<32x64xf32>
    %dot_general3A = arith.constant dense<0.000000e+00> : vector<3200x64xf32>
    %dot_general3A_19 = tpu.matmul %select_n3A, %get3A_18, %dot_general3A {dimension_numbers = #tpu.dot_dimension_numbers<[1], [0], [0], [1], [0, 0, 1, 1], [], []>, transpose_lhs_hint = false} : vector<3200x32xf32>, vector<32x64xf32>, vector<3200x64xf32> -> vector<3200x64xf32>
    %get3A_20 = arith.constant 0 : index
    %get3A_21 = arith.constant 0 : index
    %get3A_22 = vector.load %arg6[%get3A_20, %get3A_21] : memref<1x64xf32, #tpu.memory_space<vmem>>, vector<1x64xf32>
    %add3A_23 = vector.broadcast %get3A_22 : vector<1x64xf32> to vector<3200x64xf32>
    %add3A_24 = arith.addf %dot_general3A_19, %add3A_23 : vector<3200x64xf32>
    %gt3A_25 = arith.constant 0.000000e+00 : f32
    %gt3A_26 = vector.broadcast %gt3A_25 : f32 to vector<3200x64xf32>
    %gt3A_27 = arith.cmpf ogt, %add3A_24, %gt3A_26 : vector<3200x64xf32>
    %mul3A_28 = arith.constant 0.00999999977 : f32
    %mul3A_29 = vector.broadcast %mul3A_28 : f32 to vector<3200x64xf32>
    %mul3A_30 = arith.mulf %mul3A_29, %add3A_24 : vector<3200x64xf32>
    %select_n3A_31 = arith.select %gt3A_27, %add3A_24, %mul3A_30 : vector<3200x64xi1>, vector<3200x64xf32>
    %get3A_32 = arith.constant 0 : index
    %get3A_33 = arith.constant 0 : index
    %get3A_34 = vector.load %arg7[%get3A_32, %get3A_33] : memref<64x128xf32, #tpu.memory_space<vmem>>, vector<64x128xf32>
    %dot_general3A_35 = arith.constant dense<0.000000e+00> : vector<3200x128xf32>
    %dot_general3A_36 = tpu.matmul %select_n3A_31, %get3A_34, %dot_general3A_35 {dimension_numbers = #tpu.dot_dimension_numbers<[1], [0], [0], [1], [0, 0, 1, 1], [], []>, transpose_lhs_hint = false} : vector<3200x64xf32>, vector<64x128xf32>, vector<3200x128xf32> -> vector<3200x128xf32>
    %get3A_37 = arith.constant 0 : index
    %get3A_38 = arith.constant 0 : index
    %get3A_39 = vector.load %arg8[%get3A_37, %get3A_38] : memref<1x128xf32, #tpu.memory_space<vmem>>, vector<1x128xf32>
    %add3A_40 = vector.broadcast %get3A_39 : vector<1x128xf32> to vector<3200x128xf32>
    %add3A_41 = arith.addf %dot_general3A_36, %add3A_40 : vector<3200x128xf32>
    %gt3A_42 = arith.constant 0.000000e+00 : f32
    %gt3A_43 = vector.broadcast %gt3A_42 : f32 to vector<3200x128xf32>
    %gt3A_44 = arith.cmpf ogt, %add3A_41, %gt3A_43 : vector<3200x128xf32>
    %mul3A_45 = arith.constant 0.00999999977 : f32
    %mul3A_46 = vector.broadcast %mul3A_45 : f32 to vector<3200x128xf32>
    %mul3A_47 = arith.mulf %mul3A_46, %add3A_41 : vector<3200x128xf32>
    %select_n3A_48 = arith.select %gt3A_44, %add3A_41, %mul3A_47 : vector<3200x128xi1>, vector<3200x128xf32>
    %get3A_49 = arith.constant 0 : index
    %get3A_50 = arith.constant 0 : index
    %get3A_51 = vector.load %arg9[%get3A_49, %get3A_50] : memref<128x256xf32, #tpu.memory_space<vmem>>, vector<128x256xf32>
    %dot_general3A_52 = arith.constant dense<0.000000e+00> : vector<3200x256xf32>
    %dot_general3A_53 = tpu.matmul %select_n3A_48, %get3A_51, %dot_general3A_52 {dimension_numbers = #tpu.dot_dimension_numbers<[1], [0], [0], [1], [0, 0, 1, 1], [], []>, transpose_lhs_hint = false} : vector<3200x128xf32>, vector<128x256xf32>, vector<3200x256xf32> -> vector<3200x256xf32>
    %get3A_54 = arith.constant 0 : index
    %get3A_55 = arith.constant 0 : index
    %get3A_56 = vector.load %arg10[%get3A_54, %get3A_55] : memref<1x256xf32, #tpu.memory_space<vmem>>, vector<1x256xf32>
    %add3A_57 = vector.broadcast %get3A_56 : vector<1x256xf32> to vector<3200x256xf32>
    %add3A_58 = arith.addf %dot_general3A_53, %add3A_57 : vector<3200x256xf32>
    %get3A_59 = arith.constant 0 : index
    %get3A_60 = arith.constant 0 : index
    %get3A_61 = vector.load %arg2[%get3A_59, %get3A_60] : memref<400x128xf32, #tpu.memory_space<vmem>>, vector<400x128xf32>
    %slice3A = vector.extract_strided_slice %get3A_61 {offsets = [0, 0], sizes = [400, 16], strides = [1, 1]} : vector<400x128xf32> to vector<400x16xf32>
    %get3A_62 = arith.constant 0 : index
    %get3A_63 = arith.constant 0 : index
    %get3A_64 = vector.load %arg11[%get3A_62, %get3A_63] : memref<16x256xf32, #tpu.memory_space<vmem>>, vector<16x256xf32>
    %dot_general3A_65 = arith.constant dense<0.000000e+00> : vector<400x256xf32>
    %dot_general3A_66 = tpu.matmul %slice3A, %get3A_64, %dot_general3A_65 {dimension_numbers = #tpu.dot_dimension_numbers<[1], [0], [0], [1], [0, 0, 1, 1], [], []>, transpose_lhs_hint = false} : vector<400x16xf32>, vector<16x256xf32>, vector<400x256xf32> -> vector<400x256xf32>
    %slice3A_67 = vector.extract_strided_slice %add3A_58 {offsets = [0, 0], sizes = [400, 256], strides = [1, 1]} : vector<3200x256xf32> to vector<400x256xf32>
    %mul3A_68 = arith.mulf %dot_general3A_66, %slice3A_67 : vector<400x256xf32>
    %get3A_69 = arith.constant 0 : index
    %get3A_70 = arith.constant 0 : index
    %get3A_71 = vector.load %arg12[%get3A_69, %get3A_70] : memref<256x16xf32, #tpu.memory_space<vmem>>, vector<256x16xf32>
    %dot_general3A_72 = arith.constant dense<0.000000e+00> : vector<400x16xf32>
    %dot_general3A_73 = tpu.matmul %mul3A_68, %get3A_71, %dot_general3A_72 {dimension_numbers = #tpu.dot_dimension_numbers<[1], [0], [0], [1], [0, 0, 1, 1], [], []>, transpose_lhs_hint = false} : vector<400x256xf32>, vector<256x16xf32>, vector<400x16xf32> -> vector<400x16xf32>
    %swap3A = arith.constant 0 : index
    %swap3A_74 = arith.constant 0 : index
    %swap3A_75 = vector.load %arg13[%swap3A, %swap3A_74] : memref<400x128xf32, #tpu.memory_space<vmem>>, vector<400x16xf32>
    tpu.vector_store %arg13[%swap3A, %swap3A_74], %dot_general3A_73 {strides = array<i32>} : memref<400x128xf32, #tpu.memory_space<vmem>>, vector<400x16xf32>,
    %slice3A_76 = vector.extract_strided_slice %get3A_61 {offsets = [0, 16], sizes = [400, 16], strides = [1, 1]} : vector<400x128xf32> to vector<400x16xf32>
    %get3A_77 = arith.constant 0 : index
    %get3A_78 = arith.constant 0 : index
    %get3A_79 = vector.load %arg11[%get3A_77, %get3A_78] : memref<16x256xf32, #tpu.memory_space<vmem>>, vector<16x256xf32>
    %dot_general3A_80 = arith.constant dense<0.000000e+00> : vector<400x256xf32>
    %dot_general3A_81 = tpu.matmul %slice3A_76, %get3A_79, %dot_general3A_80 {dimension_numbers = #tpu.dot_dimension_numbers<[1], [0], [0], [1], [0, 0, 1, 1], [], []>, transpose_lhs_hint = false} : vector<400x16xf32>, vector<16x256xf32>, vector<400x256xf32> -> vector<400x256xf32>
    %slice3A_82 = vector.extract_strided_slice %add3A_58 {offsets = [400, 0], sizes = [400, 256], strides = [1, 1]} : vector<3200x256xf32> to vector<400x256xf32>
    %mul3A_83 = arith.mulf %dot_general3A_81, %slice3A_82 : vector<400x256xf32>
    %get3A_84 = arith.constant 0 : index
    %get3A_85 = arith.constant 0 : index
    %get3A_86 = vector.load %arg12[%get3A_84, %get3A_85] : memref<256x16xf32, #tpu.memory_space<vmem>>, vector<256x16xf32>
    %dot_general3A_87 = arith.constant dense<0.000000e+00> : vector<400x16xf32>
    %dot_general3A_88 = tpu.matmul %mul3A_83, %get3A_86, %dot_general3A_87 {dimension_numbers = #tpu.dot_dimension_numbers<[1], [0], [0], [1], [0, 0, 1, 1], [], []>, transpose_lhs_hint = false} : vector<400x256xf32>, vector<256x16xf32>, vector<400x16xf32> -> vector<400x16xf32>
    %swap3A_89 = arith.constant 0 : index
    %swap3A_90 = arith.constant 16 : index
    %swap3A_91 = vector.load %arg13[%swap3A_89, %swap3A_90] : memref<400x128xf32, #tpu.memory_space<vmem>>, vector<400x16xf32>
    tpu.vector_store %arg13[%swap3A_89, %swap3A_90], %dot_general3A_88 {strides = array<i32>} : memref<400x128xf32, #tpu.memory_space<vmem>>, vector<400x16xf32>,
    %slice3A_92 = vector.extract_strided_slice %get3A_61 {offsets = [0, 32], sizes = [400, 16], strides = [1, 1]} : vector<400x128xf32> to vector<400x16xf32>
    %get3A_93 = arith.constant 0 : index
    %get3A_94 = arith.constant 0 : index
    %get3A_95 = vector.load %arg11[%get3A_93, %get3A_94] : memref<16x256xf32, #tpu.memory_space<vmem>>, vector<16x256xf32>
    %dot_general3A_96 = arith.constant dense<0.000000e+00> : vector<400x256xf32>
    %dot_general3A_97 = tpu.matmul %slice3A_92, %get3A_95, %dot_general3A_96 {dimension_numbers = #tpu.dot_dimension_numbers<[1], [0], [0], [1], [0, 0, 1, 1], [], []>, transpose_lhs_hint = false} : vector<400x16xf32>, vector<16x256xf32>, vector<400x256xf32> -> vector<400x256xf32>
    %slice3A_98 = vector.extract_strided_slice %add3A_58 {offsets = [800, 0], sizes = [400, 256], strides = [1, 1]} : vector<3200x256xf32> to vector<400x256xf32>
    %mul3A_99 = arith.mulf %dot_general3A_97, %slice3A_98 : vector<400x256xf32>
    %get3A_100 = arith.constant 0 : index
    %get3A_101 = arith.constant 0 : index
    %get3A_102 = vector.load %arg12[%get3A_100, %get3A_101] : memref<256x16xf32, #tpu.memory_space<vmem>>, vector<256x16xf32>
    %dot_general3A_103 = arith.constant dense<0.000000e+00> : vector<400x16xf32>
    %dot_general3A_104 = tpu.matmul %mul3A_99, %get3A_102, %dot_general3A_103 {dimension_numbers = #tpu.dot_dimension_numbers<[1], [0], [0], [1], [0, 0, 1, 1], [], []>, transpose_lhs_hint = false} : vector<400x256xf32>, vector<256x16xf32>, vector<400x16xf32> -> vector<400x16xf32>
    %swap3A_105 = arith.constant 0 : index
    %swap3A_106 = arith.constant 32 : index
    %swap3A_107 = vector.load %arg13[%swap3A_105, %swap3A_106] : memref<400x128xf32, #tpu.memory_space<vmem>>, vector<400x16xf32>
    tpu.vector_store %arg13[%swap3A_105, %swap3A_106], %dot_general3A_104 {strides = array<i32>} : memref<400x128xf32, #tpu.memory_space<vmem>>, vector<400x16xf32>,
    %slice3A_108 = vector.extract_strided_slice %get3A_61 {offsets = [0, 48], sizes = [400, 16], strides = [1, 1]} : vector<400x128xf32> to vector<400x16xf32>
    %get3A_109 = arith.constant 0 : index
    %get3A_110 = arith.constant 0 : index
    %get3A_111 = vector.load %arg11[%get3A_109, %get3A_110] : memref<16x256xf32, #tpu.memory_space<vmem>>, vector<16x256xf32>
    %dot_general3A_112 = arith.constant dense<0.000000e+00> : vector<400x256xf32>
    %dot_general3A_113 = tpu.matmul %slice3A_108, %get3A_111, %dot_general3A_112 {dimension_numbers = #tpu.dot_dimension_numbers<[1], [0], [0], [1], [0, 0, 1, 1], [], []>, transpose_lhs_hint = false} : vector<400x16xf32>, vector<16x256xf32>, vector<400x256xf32> -> vector<400x256xf32>
    %slice3A_114 = vector.extract_strided_slice %add3A_58 {offsets = [1200, 0], sizes = [400, 256], strides = [1, 1]} : vector<3200x256xf32> to vector<400x256xf32>
    %mul3A_115 = arith.mulf %dot_general3A_113, %slice3A_114 : vector<400x256xf32>
    %get3A_116 = arith.constant 0 : index
    %get3A_117 = arith.constant 0 : index
    %get3A_118 = vector.load %arg12[%get3A_116, %get3A_117] : memref<256x16xf32, #tpu.memory_space<vmem>>, vector<256x16xf32>
    %dot_general3A_119 = arith.constant dense<0.000000e+00> : vector<400x16xf32>
    %dot_general3A_120 = tpu.matmul %mul3A_115, %get3A_118, %dot_general3A_119 {dimension_numbers = #tpu.dot_dimension_numbers<[1], [0], [0], [1], [0, 0, 1, 1], [], []>, transpose_lhs_hint = false} : vector<400x256xf32>, vector<256x16xf32>, vector<400x16xf32> -> vector<400x16xf32>
    %swap3A_121 = arith.constant 0 : index
    %swap3A_122 = arith.constant 48 : index
    %swap3A_123 = vector.load %arg13[%swap3A_121, %swap3A_122] : memref<400x128xf32, #tpu.memory_space<vmem>>, vector<400x16xf32>
    tpu.vector_store %arg13[%swap3A_121, %swap3A_122], %dot_general3A_120 {strides = array<i32>} : memref<400x128xf32, #tpu.memory_space<vmem>>, vector<400x16xf32>,
    %slice3A_124 = vector.extract_strided_slice %get3A_61 {offsets = [0, 64], sizes = [400, 16], strides = [1, 1]} : vector<400x128xf32> to vector<400x16xf32>
    %get3A_125 = arith.constant 0 : index
    %get3A_126 = arith.constant 0 : index
    %get3A_127 = vector.load %arg11[%get3A_125, %get3A_126] : memref<16x256xf32, #tpu.memory_space<vmem>>, vector<16x256xf32>
    %dot_general3A_128 = arith.constant dense<0.000000e+00> : vector<400x256xf32>
    %dot_general3A_129 = tpu.matmul %slice3A_124, %get3A_127, %dot_general3A_128 {dimension_numbers = #tpu.dot_dimension_numbers<[1], [0], [0], [1], [0, 0, 1, 1], [], []>, transpose_lhs_hint = false} : vector<400x16xf32>, vector<16x256xf32>, vector<400x256xf32> -> vector<400x256xf32>
    %slice3A_130 = vector.extract_strided_slice %add3A_58 {offsets = [1600, 0], sizes = [400, 256], strides = [1, 1]} : vector<3200x256xf32> to vector<400x256xf32>
    %mul3A_131 = arith.mulf %dot_general3A_129, %slice3A_130 : vector<400x256xf32>
    %get3A_132 = arith.constant 0 : index
    %get3A_133 = arith.constant 0 : index
    %get3A_134 = vector.load %arg12[%get3A_132, %get3A_133] : memref<256x16xf32, #tpu.memory_space<vmem>>, vector<256x16xf32>
    %dot_general3A_135 = arith.constant dense<0.000000e+00> : vector<400x16xf32>
    %dot_general3A_136 = tpu.matmul %mul3A_131, %get3A_134, %dot_general3A_135 {dimension_numbers = #tpu.dot_dimension_numbers<[1], [0], [0], [1], [0, 0, 1, 1], [], []>, transpose_lhs_hint = false} : vector<400x256xf32>, vector<256x16xf32>, vector<400x16xf32> -> vector<400x16xf32>
    %swap3A_137 = arith.constant 0 : index
    %swap3A_138 = arith.constant 64 : index
    %swap3A_139 = vector.load %arg13[%swap3A_137, %swap3A_138] : memref<400x128xf32, #tpu.memory_space<vmem>>, vector<400x16xf32>
    tpu.vector_store %arg13[%swap3A_137, %swap3A_138], %dot_general3A_136 {strides = array<i32>} : memref<400x128xf32, #tpu.memory_space<vmem>>, vector<400x16xf32>,
    %slice3A_140 = vector.extract_strided_slice %get3A_61 {offsets = [0, 80], sizes = [400, 16], strides = [1, 1]} : vector<400x128xf32> to vector<400x16xf32>
    %get3A_141 = arith.constant 0 : index
    %get3A_142 = arith.constant 0 : index
    %get3A_143 = vector.load %arg11[%get3A_141, %get3A_142] : memref<16x256xf32, #tpu.memory_space<vmem>>, vector<16x256xf32>
    %dot_general3A_144 = arith.constant dense<0.000000e+00> : vector<400x256xf32>
    %dot_general3A_145 = tpu.matmul %slice3A_140, %get3A_143, %dot_general3A_144 {dimension_numbers = #tpu.dot_dimension_numbers<[1], [0], [0], [1], [0, 0, 1, 1], [], []>, transpose_lhs_hint = false} : vector<400x16xf32>, vector<16x256xf32>, vector<400x256xf32> -> vector<400x256xf32>
    %slice3A_146 = vector.extract_strided_slice %add3A_58 {offsets = [2000, 0], sizes = [400, 256], strides = [1, 1]} : vector<3200x256xf32> to vector<400x256xf32>
    %mul3A_147 = arith.mulf %dot_general3A_145, %slice3A_146 : vector<400x256xf32>
    %get3A_148 = arith.constant 0 : index
    %get3A_149 = arith.constant 0 : index
    %get3A_150 = vector.load %arg12[%get3A_148, %get3A_149] : memref<256x16xf32, #tpu.memory_space<vmem>>, vector<256x16xf32>
    %dot_general3A_151 = arith.constant dense<0.000000e+00> : vector<400x16xf32>
    %dot_general3A_152 = tpu.matmul %mul3A_147, %get3A_150, %dot_general3A_151 {dimension_numbers = #tpu.dot_dimension_numbers<[1], [0], [0], [1], [0, 0, 1, 1], [], []>, transpose_lhs_hint = false} : vector<400x256xf32>, vector<256x16xf32>, vector<400x16xf32> -> vector<400x16xf32>
    %swap3A_153 = arith.constant 0 : index
    %swap3A_154 = arith.constant 80 : index
    %swap3A_155 = vector.load %arg13[%swap3A_153, %swap3A_154] : memref<400x128xf32, #tpu.memory_space<vmem>>, vector<400x16xf32>
    tpu.vector_store %arg13[%swap3A_153, %swap3A_154], %dot_general3A_152 {strides = array<i32>} : memref<400x128xf32, #tpu.memory_space<vmem>>, vector<400x16xf32>,
    %slice3A_156 = vector.extract_strided_slice %get3A_61 {offsets = [0, 96], sizes = [400, 16], strides = [1, 1]} : vector<400x128xf32> to vector<400x16xf32>
    %get3A_157 = arith.constant 0 : index
    %get3A_158 = arith.constant 0 : index
    %get3A_159 = vector.load %arg11[%get3A_157, %get3A_158] : memref<16x256xf32, #tpu.memory_space<vmem>>, vector<16x256xf32>
    %dot_general3A_160 = arith.constant dense<0.000000e+00> : vector<400x256xf32>
    %dot_general3A_161 = tpu.matmul %slice3A_156, %get3A_159, %dot_general3A_160 {dimension_numbers = #tpu.dot_dimension_numbers<[1], [0], [0], [1], [0, 0, 1, 1], [], []>, transpose_lhs_hint = false} : vector<400x16xf32>, vector<16x256xf32>, vector<400x256xf32> -> vector<400x256xf32>
    %slice3A_162 = vector.extract_strided_slice %add3A_58 {offsets = [2400, 0], sizes = [400, 256], strides = [1, 1]} : vector<3200x256xf32> to vector<400x256xf32>
    %mul3A_163 = arith.mulf %dot_general3A_161, %slice3A_162 : vector<400x256xf32>
    %get3A_164 = arith.constant 0 : index
    %get3A_165 = arith.constant 0 : index
    %get3A_166 = vector.load %arg12[%get3A_164, %get3A_165] : memref<256x16xf32, #tpu.memory_space<vmem>>, vector<256x16xf32>
    %dot_general3A_167 = arith.constant dense<0.000000e+00> : vector<400x16xf32>
    %dot_general3A_168 = tpu.matmul %mul3A_163, %get3A_166, %dot_general3A_167 {dimension_numbers = #tpu.dot_dimension_numbers<[1], [0], [0], [1], [0, 0, 1, 1], [], []>, transpose_lhs_hint = false} : vector<400x256xf32>, vector<256x16xf32>, vector<400x16xf32> -> vector<400x16xf32>
    %swap3A_169 = arith.constant 0 : index
    %swap3A_170 = arith.constant 96 : index
    %swap3A_171 = vector.load %arg13[%swap3A_169, %swap3A_170] : memref<400x128xf32, #tpu.memory_space<vmem>>, vector<400x16xf32>
    tpu.vector_store %arg13[%swap3A_169, %swap3A_170], %dot_general3A_168 {strides = array<i32>} : memref<400x128xf32, #tpu.memory_space<vmem>>, vector<400x16xf32>,
    %slice3A_172 = vector.extract_strided_slice %get3A_61 {offsets = [0, 112], sizes = [400, 16], strides = [1, 1]} : vector<400x128xf32> to vector<400x16xf32>
    %get3A_173 = arith.constant 0 : index
    %get3A_174 = arith.constant 0 : index
    %get3A_175 = vector.load %arg11[%get3A_173, %get3A_174] : memref<16x256xf32, #tpu.memory_space<vmem>>, vector<16x256xf32>
    %dot_general3A_176 = arith.constant dense<0.000000e+00> : vector<400x256xf32>
    %dot_general3A_177 = tpu.matmul %slice3A_172, %get3A_175, %dot_general3A_176 {dimension_numbers = #tpu.dot_dimension_numbers<[1], [0], [0], [1], [0, 0, 1, 1], [], []>, transpose_lhs_hint = false} : vector<400x16xf32>, vector<16x256xf32>, vector<400x256xf32> -> vector<400x256xf32>
    %slice3A_178 = vector.extract_strided_slice %add3A_58 {offsets = [2800, 0], sizes = [400, 256], strides = [1, 1]} : vector<3200x256xf32> to vector<400x256xf32>
    %mul3A_179 = arith.mulf %dot_general3A_177, %slice3A_178 : vector<400x256xf32>
    %get3A_180 = arith.constant 0 : index
    %get3A_181 = arith.constant 0 : index
    %get3A_182 = vector.load %arg12[%get3A_180, %get3A_181] : memref<256x16xf32, #tpu.memory_space<vmem>>, vector<256x16xf32>
    %dot_general3A_183 = arith.constant dense<0.000000e+00> : vector<400x16xf32>
    %dot_general3A_184 = tpu.matmul %mul3A_179, %get3A_182, %dot_general3A_183 {dimension_numbers = #tpu.dot_dimension_numbers<[1], [0], [0], [1], [0, 0, 1, 1], [], []>, transpose_lhs_hint = false} : vector<400x256xf32>, vector<256x16xf32>, vector<400x16xf32> -> vector<400x16xf32>
    %swap3A_185 = arith.constant 0 : index
    %swap3A_186 = arith.constant 112 : index
    %swap3A_187 = vector.load %arg13[%swap3A_185, %swap3A_186] : memref<400x128xf32, #tpu.memory_space<vmem>>, vector<400x16xf32>
    tpu.vector_store %arg13[%swap3A_185, %swap3A_186], %dot_general3A_184 {strides = array<i32>} : memref<400x128xf32, #tpu.memory_space<vmem>>, vector<400x16xf32>,
    return
  }
  func.func @transform_0(%arg0: i32) -> (i32, i32) {
    %c0_i32 = arith.constant 0 : i32
    %c0_i32_0 = arith.constant 0 : i32
    return %arg0, %c0_i32 : i32, i32
  }
  func.func @transform_1(%arg0: i32) -> (i32, i32) {
    %c0_i32 = arith.constant 0 : i32
    %c0_i32_0 = arith.constant 0 : i32
    return %arg0, %c0_i32 : i32, i32
  }
  func.func @transform_2(%arg0: i32) -> (i32, i32) {
    %c0_i32 = arith.constant 0 : i32
    %c0_i32_0 = arith.constant 0 : i32
    %c0_i32_1 = arith.constant 0 : i32
    return %c0_i32, %c0_i32_0 : i32, i32
  }
  func.func @transform_3(%arg0: i32) -> (i32, i32) {
    %c0_i32 = arith.constant 0 : i32
    %c0_i32_0 = arith.constant 0 : i32
    %c0_i32_1 = arith.constant 0 : i32
    return %c0_i32, %c0_i32_0 : i32, i32
  }
  func.func @transform_4(%arg0: i32) -> (i32, i32) {
    %c0_i32 = arith.constant 0 : i32
    %c0_i32_0 = arith.constant 0 : i32
    %c0_i32_1 = arith.constant 0 : i32
    return %c0_i32, %c0_i32_0 : i32, i32
  }
  func.func @transform_5(%arg0: i32) -> (i32, i32) {
    %c0_i32 = arith.constant 0 : i32
    %c0_i32_0 = arith.constant 0 : i32
    %c0_i32_1 = arith.constant 0 : i32
    return %c0_i32, %c0_i32_0 : i32, i32
  }
  func.func @transform_6(%arg0: i32) -> (i32, i32) {
    %c0_i32 = arith.constant 0 : i32
    %c0_i32_0 = arith.constant 0 : i32
    %c0_i32_1 = arith.constant 0 : i32
    return %c0_i32, %c0_i32_0 : i32, i32
  }
  func.func @transform_7(%arg0: i32) -> (i32, i32) {
    %c0_i32 = arith.constant 0 : i32
    %c0_i32_0 = arith.constant 0 : i32
    %c0_i32_1 = arith.constant 0 : i32
    return %c0_i32, %c0_i32_0 : i32, i32
  }
  func.func @transform_8(%arg0: i32) -> (i32, i32) {
    %c0_i32 = arith.constant 0 : i32
    %c0_i32_0 = arith.constant 0 : i32
    %c0_i32_1 = arith.constant 0 : i32
    return %c0_i32, %c0_i32_0 : i32, i32
  }
  func.func @transform_9(%arg0: i32) -> (i32, i32) {
    %c0_i32 = arith.constant 0 : i32
    %c0_i32_0 = arith.constant 0 : i32
    %c0_i32_1 = arith.constant 0 : i32
    return %c0_i32, %c0_i32_0 : i32, i32
  }
  func.func @transform_10(%arg0: i32) -> (i32, i32) {
    %c0_i32 = arith.constant 0 : i32
    %c0_i32_0 = arith.constant 0 : i32
    %c0_i32_1 = arith.constant 0 : i32
    return %c0_i32, %c0_i32_0 : i32, i32
  }
  func.func @transform_11(%arg0: i32) -> (i32, i32) {
    %c0_i32 = arith.constant 0 : i32
    %c0_i32_0 = arith.constant 0 : i32
    %c0_i32_1 = arith.constant 0 : i32
    return %c0_i32, %c0_i32_0 : i32, i32
  }
  func.func @transform_12(%arg0: i32) -> (i32, i32) {
    %c0_i32 = arith.constant 0 : i32
    %c0_i32_0 = arith.constant 0 : i32
    return %arg0, %c0_i32 : i32, i32
  }
}

module attributes {stable_mosaic.version = 14 : i64} {
  func.func @_upd1_body(%arg0: memref<2x10000x16xf32, #tpu.memory_space<vmem>>, %arg1: memref<2x10000x16xf32, #tpu.memory_space<vmem>>, %arg2: memref<10000x16xf32, #tpu.memory_space<vmem>>, %arg3: memref<16x16xf32, #tpu.memory_space<vmem>>, %arg4: memref<1x16xf32, #tpu.memory_space<vmem>>, %arg5: memref<16x16xf32, #tpu.memory_space<vmem>>, %arg6: memref<1x16xf32, #tpu.memory_space<vmem>>, %arg7: memref<10000x16xf32, #tpu.memory_space<vmem>>, %arg8: memref<10000x16xf32, #tpu.memory_space<vmem>>, %arg9: memref<10000x16xf32, #tpu.memory_space<vmem>>) attributes {dimension_semantics = [], scalar_prefetch = 0 : i64, scratch_operands = 0 : i64, tpu.core_type = #tpu.core_type<tc>} {
    %get3A = arith.constant 0 : index
    %get3A_0 = arith.constant 0 : index
    %get3A_1 = arith.constant 0 : index
    %get3A_2 = vector.load %arg1[%get3A, %get3A_0, %get3A_1] : memref<2x10000x16xf32, #tpu.memory_space<vmem>>, vector<1x10000x16xf32>
    %get3A_3 = vector.shape_cast %get3A_2 : vector<1x10000x16xf32> to vector<10000x16xf32>
    %get3A_4 = arith.constant 1 : index
    %get3A_5 = arith.constant 0 : index
    %get3A_6 = arith.constant 0 : index
    %get3A_7 = vector.load %arg1[%get3A_4, %get3A_5, %get3A_6] : memref<2x10000x16xf32, #tpu.memory_space<vmem>>, vector<1x10000x16xf32>
    %get3A_8 = vector.shape_cast %get3A_7 : vector<1x10000x16xf32> to vector<10000x16xf32>
    %add3A = arith.addf %get3A_3, %get3A_8 : vector<10000x16xf32>
    %max3A = arith.constant 1.000000e+00 : f32
    %max3A_9 = vector.broadcast %max3A : f32 to vector<10000x16xf32>
    %max3A_10 = arith.maximumf %add3A, %max3A_9 : vector<10000x16xf32>
    %get3A_11 = arith.constant 0 : index
    %get3A_12 = arith.constant 0 : index
    %get3A_13 = arith.constant 0 : index
    %get3A_14 = vector.load %arg0[%get3A_11, %get3A_12, %get3A_13] : memref<2x10000x16xf32, #tpu.memory_space<vmem>>, vector<1x10000x16xf32>
    %get3A_15 = vector.shape_cast %get3A_14 : vector<1x10000x16xf32> to vector<10000x16xf32>
    %get3A_16 = arith.constant 1 : index
    %get3A_17 = arith.constant 0 : index
    %get3A_18 = arith.constant 0 : index
    %get3A_19 = vector.load %arg0[%get3A_16, %get3A_17, %get3A_18] : memref<2x10000x16xf32, #tpu.memory_space<vmem>>, vector<1x10000x16xf32>
    %get3A_20 = vector.shape_cast %get3A_19 : vector<1x10000x16xf32> to vector<10000x16xf32>
    %add3A_21 = arith.addf %get3A_15, %get3A_20 : vector<10000x16xf32>
    %div3A = arith.divf %add3A_21, %max3A_10 : vector<10000x16xf32>
    %get3A_22 = arith.constant 0 : index
    %get3A_23 = arith.constant 0 : index
    %get3A_24 = vector.load %arg2[%get3A_22, %get3A_23] : memref<10000x16xf32, #tpu.memory_space<vmem>>, vector<10000x16xf32>
    %get3A_25 = arith.constant 0 : index
    %get3A_26 = arith.constant 0 : index
    %get3A_27 = vector.load %arg3[%get3A_25, %get3A_26] : memref<16x16xf32, #tpu.memory_space<vmem>>, vector<16x16xf32>
    %dot_general3A = arith.constant dense<0.000000e+00> : vector<10000x16xf32>
    %dot_general3A_28 = tpu.matmul %get3A_24, %get3A_27, %dot_general3A {dimension_numbers = #tpu.dot_dimension_numbers<[1], [0], [0], [1], [0, 0, 1, 1], [], []>, transpose_lhs_hint = false} : vector<10000x16xf32>, vector<16x16xf32>, vector<10000x16xf32> -> vector<10000x16xf32>
    %add3A_29 = arith.addf %div3A, %dot_general3A_28 : vector<10000x16xf32>
    %get3A_30 = arith.constant 0 : index
    %get3A_31 = arith.constant 0 : index
    %get3A_32 = vector.load %arg4[%get3A_30, %get3A_31] : memref<1x16xf32, #tpu.memory_space<vmem>>, vector<1x16xf32>
    %add3A_33 = vector.broadcast %get3A_32 : vector<1x16xf32> to vector<10000x16xf32>
    %add3A_34 = arith.addf %add3A_29, %add3A_33 : vector<10000x16xf32>
    %swap3A = arith.constant 0 : index
    %swap3A_35 = arith.constant 0 : index
    %swap3A_36 = vector.load %arg7[%swap3A, %swap3A_35] : memref<10000x16xf32, #tpu.memory_space<vmem>>, vector<10000x16xf32>
    tpu.vector_store %arg7[%swap3A, %swap3A_35], %add3A_34 {strides = array<i32>} : memref<10000x16xf32, #tpu.memory_space<vmem>>, vector<10000x16xf32>,
    %get3A_37 = arith.constant 0 : index
    %get3A_38 = arith.constant 0 : index
    %get3A_39 = vector.load %arg5[%get3A_37, %get3A_38] : memref<16x16xf32, #tpu.memory_space<vmem>>, vector<16x16xf32>
    %dot_general3A_40 = arith.constant dense<0.000000e+00> : vector<10000x16xf32>
    %dot_general3A_41 = tpu.matmul %add3A_34, %get3A_39, %dot_general3A_40 {dimension_numbers = #tpu.dot_dimension_numbers<[1], [0], [0], [1], [0, 0, 1, 1], [], []>, transpose_lhs_hint = false} : vector<10000x16xf32>, vector<16x16xf32>, vector<10000x16xf32> -> vector<10000x16xf32>
    %get3A_42 = arith.constant 0 : index
    %get3A_43 = arith.constant 0 : index
    %get3A_44 = vector.load %arg6[%get3A_42, %get3A_43] : memref<1x16xf32, #tpu.memory_space<vmem>>, vector<1x16xf32>
    %add3A_45 = vector.broadcast %get3A_44 : vector<1x16xf32> to vector<10000x16xf32>
    %add3A_46 = arith.addf %dot_general3A_41, %add3A_45 : vector<10000x16xf32>
    %swap3A_47 = arith.constant 0 : index
    %swap3A_48 = arith.constant 0 : index
    %swap3A_49 = vector.load %arg8[%swap3A_47, %swap3A_48] : memref<10000x16xf32, #tpu.memory_space<vmem>>, vector<10000x16xf32>
    tpu.vector_store %arg8[%swap3A_47, %swap3A_48], %add3A_46 {strides = array<i32>} : memref<10000x16xf32, #tpu.memory_space<vmem>>, vector<10000x16xf32>,
    %swap3A_50 = arith.constant 0 : index
    %swap3A_51 = arith.constant 0 : index
    %swap3A_52 = vector.load %arg9[%swap3A_50, %swap3A_51] : memref<10000x16xf32, #tpu.memory_space<vmem>>, vector<10000x16xf32>
    tpu.vector_store %arg9[%swap3A_50, %swap3A_51], %max3A_10 {strides = array<i32>} : memref<10000x16xf32, #tpu.memory_space<vmem>>, vector<10000x16xf32>,
    return
  }
}

module attributes {stable_mosaic.version = 14 : i64} {
  func.func @_upd2_body(%arg0: memref<2x10000x16xf32, #tpu.memory_space<vmem>>, %arg1: memref<10000x16xf32, #tpu.memory_space<vmem>>, %arg2: memref<10000x16xf32, #tpu.memory_space<vmem>>, %arg3: memref<16x16xf32, #tpu.memory_space<vmem>>, %arg4: memref<1x16xf32, #tpu.memory_space<vmem>>, %arg5: memref<16x128xf32, #tpu.memory_space<vmem>>, %arg6: memref<1x128xf32, #tpu.memory_space<vmem>>, %arg7: memref<10000x128xf32, #tpu.memory_space<vmem>>) attributes {dimension_semantics = [], scalar_prefetch = 0 : i64, scratch_operands = 0 : i64, tpu.core_type = #tpu.core_type<tc>} {
    %get3A = arith.constant 0 : index
    %get3A_0 = arith.constant 0 : index
    %get3A_1 = arith.constant 0 : index
    %get3A_2 = vector.load %arg0[%get3A, %get3A_0, %get3A_1] : memref<2x10000x16xf32, #tpu.memory_space<vmem>>, vector<1x10000x16xf32>
    %get3A_3 = vector.shape_cast %get3A_2 : vector<1x10000x16xf32> to vector<10000x16xf32>
    %get3A_4 = arith.constant 1 : index
    %get3A_5 = arith.constant 0 : index
    %get3A_6 = arith.constant 0 : index
    %get3A_7 = vector.load %arg0[%get3A_4, %get3A_5, %get3A_6] : memref<2x10000x16xf32, #tpu.memory_space<vmem>>, vector<1x10000x16xf32>
    %get3A_8 = vector.shape_cast %get3A_7 : vector<1x10000x16xf32> to vector<10000x16xf32>
    %add3A = arith.addf %get3A_3, %get3A_8 : vector<10000x16xf32>
    %get3A_9 = arith.constant 0 : index
    %get3A_10 = arith.constant 0 : index
    %get3A_11 = vector.load %arg1[%get3A_9, %get3A_10] : memref<10000x16xf32, #tpu.memory_space<vmem>>, vector<10000x16xf32>
    %div3A = arith.divf %add3A, %get3A_11 : vector<10000x16xf32>
    %get3A_12 = arith.constant 0 : index
    %get3A_13 = arith.constant 0 : index
    %get3A_14 = vector.load %arg2[%get3A_12, %get3A_13] : memref<10000x16xf32, #tpu.memory_space<vmem>>, vector<10000x16xf32>
    %get3A_15 = arith.constant 0 : index
    %get3A_16 = arith.constant 0 : index
    %get3A_17 = vector.load %arg3[%get3A_15, %get3A_16] : memref<16x16xf32, #tpu.memory_space<vmem>>, vector<16x16xf32>
    %dot_general3A = arith.constant dense<0.000000e+00> : vector<10000x16xf32>
    %dot_general3A_18 = tpu.matmul %get3A_14, %get3A_17, %dot_general3A {dimension_numbers = #tpu.dot_dimension_numbers<[1], [0], [0], [1], [0, 0, 1, 1], [], []>, transpose_lhs_hint = false} : vector<10000x16xf32>, vector<16x16xf32>, vector<10000x16xf32> -> vector<10000x16xf32>
    %add3A_19 = arith.addf %div3A, %dot_general3A_18 : vector<10000x16xf32>
    %get3A_20 = arith.constant 0 : index
    %get3A_21 = arith.constant 0 : index
    %get3A_22 = vector.load %arg4[%get3A_20, %get3A_21] : memref<1x16xf32, #tpu.memory_space<vmem>>, vector<1x16xf32>
    %add3A_23 = vector.broadcast %get3A_22 : vector<1x16xf32> to vector<10000x16xf32>
    %add3A_24 = arith.addf %add3A_19, %add3A_23 : vector<10000x16xf32>
    %get3A_25 = arith.constant 0 : index
    %get3A_26 = arith.constant 0 : index
    %get3A_27 = vector.load %arg5[%get3A_25, %get3A_26] : memref<16x128xf32, #tpu.memory_space<vmem>>, vector<16x128xf32>
    %dot_general3A_28 = arith.constant dense<0.000000e+00> : vector<10000x128xf32>
    %dot_general3A_29 = tpu.matmul %add3A_24, %get3A_27, %dot_general3A_28 {dimension_numbers = #tpu.dot_dimension_numbers<[1], [0], [0], [1], [0, 0, 1, 1], [], []>, transpose_lhs_hint = false} : vector<10000x16xf32>, vector<16x128xf32>, vector<10000x128xf32> -> vector<10000x128xf32>
    %get3A_30 = arith.constant 0 : index
    %get3A_31 = arith.constant 0 : index
    %get3A_32 = vector.load %arg6[%get3A_30, %get3A_31] : memref<1x128xf32, #tpu.memory_space<vmem>>, vector<1x128xf32>
    %add3A_33 = vector.broadcast %get3A_32 : vector<1x128xf32> to vector<10000x128xf32>
    %add3A_34 = arith.addf %dot_general3A_29, %add3A_33 : vector<10000x128xf32>
    %swap3A = arith.constant 0 : index
    %swap3A_35 = arith.constant 0 : index
    %swap3A_36 = vector.load %arg7[%swap3A, %swap3A_35] : memref<10000x128xf32, #tpu.memory_space<vmem>>, vector<10000x128xf32>
    tpu.vector_store %arg7[%swap3A, %swap3A_35], %add3A_34 {strides = array<i32>} : memref<10000x128xf32, #tpu.memory_space<vmem>>, vector<10000x128xf32>,
    return
  }
}

</mosaic_0001>

<sc_bundles>
// kernel: kernel.11.cloned.1.call-start
scs
__scs_entry_jumppad:
0x0: {  	(pc) =	sbr.rel $0x88, $3  }
0x1: {  	(tag) =	ssettag $0x0;
	lr =	simm.s32 $0x1  }
0x2: {  	[smem:$0x3F8E] =	sst lr;
	_ =	strace $0xD0000000  }
0x3: {  	_ = 	snop  }
0x4: {  	_ = 	snop  }
0x5: {  	_ = 	snop  }
0x6: {  	_ = 	snop  }
0x7: {  	_ = 	snop  }
__scs_overlays_trampoline_lowered:
0x8: {  	[smem:$0x3F9D] =	sst s0  }
0x9: {  	[smem:$0x3F9E] =	sst s1  }
0xa: {  	[smem:$0x3F9F] =	sst s2  }
0xb: {  	[smem:$0x3FA0] =	sst s3  }
0xc: {  	[smem:$0x3FA1] =	sst s4  }
0xd: {  	[smem:$0x3FA2] =	sst s5  }
0xe: {  	[smem:$0x3FA3] =	sst s6  }
0xf: {  	[smem:$0x3FA4] =	sst s7  }
0x10: {  	[smem:$0x3FA5] =	sst s8  }
0x11: {  	[smem:$0x3FA6] =	sst s9;
	s0 =	simm.s32 @!p0 $0x0  }
0x12: {  	s1 =	sld [smem:$0x3F8C];
	s0 =	simm.s32 @p0 $0x1  }
0x13: {  	[smem:$0x3FA7] =	sst s0;
	s0 =	simm.s32 @!p1 $0x0  }
0x14: {  	s2 =	sld [smem:$0x3F8B];
	s0 =	simm.s32 @p1 $0x1  }
0x15: {  	[smem:$0x3FA8] =	sst s0;
	s0 =	simm.s32 @!p2 $0x0  }
0x16: {  	s3 =	sld [smem:$0x3FDB];
	s0 =	simm.s32 @p2 $0x1  }
0x17: {  	s4 =	simm.s32 $0x1BF5;
	[smem:$0x3FAA] =	sst s0  }
0x18: {  	s0 =	sld [smem:$0x3F8D];
	_ =	swait.ge [sflag:s4], $0x0  }
0x19: {  	s7 =	sld [smem:$0x3F8E]  }
0x1a: {  	s8 =	sadd.s32 $0xFFFFE003, lr  }
0x1b: {  	s9 =	sadd.s32 $0xFFFFFEF7, lr;
	s5 =	simm.s32 $0xFFFFFFFF;
	p2 =	slt.u32 s8, $0xFFFFF086  }
0x1c: {  	p1 =	slt.u32 s9, $0xF7A;
	s5 =	simm.s32 @!p2 $0x0  }
0x1d: {  	s5 =	simm.s32 @p1 $0x1;
	p0 =	seq.s32 s7, s2  }
0x1e: {  	s7 =	smul.u32 @!p0 $0xF7A, s2;
	p2 =	seq.s32 @!p0 s5, $0x0  }
0x1f: {  	s9 =	smul.u32 $0xF7A, s1;
	s8 =	simm.s32 @!p0 $0x1BF5;
	p2 =	por !p2, p0  }
0x20: {  	[sflag:s8] =	ssyncset.s32 @!p0 $0xFFFFF086;
	s6 =	sadd.s32 @!p0 s3, s7;
	s7 =	simm.s32 @!p0 $0x108  }
0x21: {  	s3 =	sadd.s32 s3, s9;
	s6 =	sadd.s32 @!p0 $0x88, s6;
	s7 =	simm.s32 @p2 $0x1082  }
0x22: {  	[simem:s7], [sflag:s8] =	dma.local @!p0 [hbm:s6], $0xF7A  }
0x23: {  	s9 =	sor.u32 $0xD0000000, s2;
	s6 =	simm.s32 $0x108;
	_ =	swait.ge @!p0 [sflag:s8], $0x0  }
0x24: {  	s3 =	sadd.s32 $0x88, s3;
	s6 =	simm.s32 @!p1 $0x1082;
	[sflag:s4] =	ssyncset.s32 $0xFFFFF086  }
0x25: {  	[simem:s6], [sflag:s4] =	dma.local [hbm:s3], $0xF7A  }
0x26: {  	[smem:$0x3F8E] =	sst s1;
	(tag) =	ssettag s2;
	_ =	strace s9  }
0x27: {  	s1 =	sld [smem:$0x3F9E]  }
0x28: {  	s2 =	sld [smem:$0x3F9F]  }
0x29: {  	s4 =	sld [smem:$0x3FA1]  }
0x2a: {  	p0 =	seq.s32 s5, $0x0;
	s5 =	sld [smem:$0x3FA2]  }
0x2b: {  	s6 =	sld [smem:$0x3FA3]  }
0x2c: {  	s7 =	sld [smem:$0x3FA4]  }
0x2d: {  	s3 =	simm.s32 $0x108;
	s8 =	sld [smem:$0x3FA5]  }
0x2e: {  	s3 =	simm.s32 @!p0 $0x1082;
	s9 =	sld [smem:$0x3FA6]  }
0x2f: {  	lr =	sadd.s32 s0, s3;
	s0 =	sld [smem:$0x3F9D]  }
0x30: {  	s3 =	sld [smem:$0x3FA0]  }
0x31: {  	[smem:$0x3FA9] =	sst s10  }
0x32: {  	s10 =	sld [smem:$0x3FA7];
	_ =	sdelay $0x3  }
0x33: {  	p0 =	seq.s32 s10, $0x1;
	s10 =	sld [smem:$0x3FA9];
	_ =	sdelay $0x3  }
0x34: {  	[smem:$0x3FA9] =	sst s10  }
0x35: {  	s10 =	sld [smem:$0x3FA8];
	_ =	sdelay $0x3  }
0x36: {  	p1 =	seq.s32 s10, $0x1;
	s10 =	sld [smem:$0x3FA9];
	_ =	sdelay $0x3  }
0x37: {  	[smem:$0x3FA9] =	sst s10  }
0x38: {  	s10 =	sld [smem:$0x3FAA]  }
0x39: {  	_ = 	snop;
	(pc) =	sbr.ind lr, $3  }
0x3a: {  	_ = 	snop  }
0x3b: {  	_ = 	snop  }
0x3c: {  	p2 =	seq.s32 s10, $0x1;
	s10 =	sld [smem:$0x3FA9]  }
0x3d: {  	_ =	shalt  }
0x3e: {  	_ =	shalt  }
0x3f: {  	_ =	shalt  }
0x40: {  	_ =	shalt  }
0x41: {  	_ =	shalt  }
0x42: {  	_ =	shalt  }
0x43: {  	_ =	shalt  }
0x44: {  	_ =	shalt  }
0x45: {  	_ =	shalt  }
0x46: {  	_ =	shalt  }
0x47: {  	_ =	shalt  }
0x48: {  	_ =	shalt  }
0x49: {  	_ =	shalt  }
0x4a: {  	_ =	shalt  }
0x4b: {  	_ =	shalt  }
0x4c: {  	_ =	shalt  }
0x4d: {  	_ =	shalt  }
0x4e: {  	_ =	shalt  }
0x4f: {  	_ =	shalt  }
0x50: {  	_ =	shalt  }
0x51: {  	_ =	shalt  }
0x52: {  	_ =	shalt  }
0x53: {  	_ =	shalt  }
0x54: {  	_ =	shalt  }
0x55: {  	_ =	shalt  }
0x56: {  	_ =	shalt  }
0x57: {  	_ =	shalt  }
0x58: {  	_ =	shalt  }
0x59: {  	_ =	shalt  }
0x5a: {  	_ =	shalt  }
0x5b: {  	_ =	shalt  }
0x5c: {  	_ =	shalt  }
0x5d: {  	_ =	shalt  }
0x5e: {  	_ =	shalt  }
0x5f: {  	_ =	shalt  }
0x60: {  	_ =	shalt  }
0x61: {  	_ =	shalt  }
0x62: {  	_ =	shalt  }
0x63: {  	_ =	shalt  }
0x64: {  	_ =	shalt  }
0x65: {  	_ =	shalt  }
0x66: {  	_ =	shalt  }
0x67: {  	_ =	shalt  }
0x68: {  	_ =	shalt  }
0x69: {  	_ =	shalt  }
0x6a: {  	_ =	shalt  }
0x6b: {  	_ =	shalt  }
0x6c: {  	_ =	shalt  }
0x6d: {  	_ =	shalt  }
0x6e: {  	_ =	shalt  }
0x6f: {  	_ =	shalt  }
0x70: {  	_ =	shalt  }
0x71: {  	_ =	shalt  }
0x72: {  	_ =	shalt  }
0x73: {  	_ =	shalt  }
0x74: {  	_ =	shalt  }
0x75: {  	_ =	shalt  }
0x76: {  	_ =	shalt  }
0x77: {  	_ =	shalt  }
0x78: {  	_ =	shalt  }
0x79: {  	_ =	shalt  }
0x7a: {  	_ =	shalt  }
0x7b: {  	_ =	shalt  }
0x7c: {  	_ =	shalt  }
0x7d: {  	_ =	shalt  }
0x7e: {  	_ =	shalt  }
0x7f: {  	_ =	shalt  }
0x80: {  	_ =	shalt  }
0x81: {  	_ =	shalt  }
0x82: {  	_ =	shalt  }
0x83: {  	_ =	shalt  }
0x84: {  	_ =	shalt  }
0x85: {  	_ =	shalt  }
0x86: {  	_ =	shalt  }
0x87: {  	_ =	shalt  }
.Lfunc_end0:
.L_simem_size_0:
called_computation_lowered:
.L_overlay_start_0:
0x88: {  	s2 =	sld [smem:$0x3FD9]  }
0x89: {  	s3 =	sld [smem:$0x3FFE];
	_ =	sdelay $0x1  }
0x8a: {  	s1 =	srdreg.scid  }
0x8b: {  	s0 =	sand.u32 $0x1, s1  }
0x8c: {  	s17 =	sshll.u32 s0, $0xA;
	s2 =	sadd.s32 s3, s2  }
0x8d: {  	s2 =	sadd.s32 s2, s17  }
0x8e: {  	[smem:$0x3FB5] =	sst s2  }
0x8f: {  	_ = 	snop  }
0x90: {  	s2 =	sld [smem:$0x3FD0];
	(tm) =	ssettm $0x1  }
0x91: {  	s18 =	sld [smem:$0x3FFB];
	_ =	sdelay $0x3  }
0x92: {  	_ =	strace s18  }
0x93: {  	s3 =	sld [smem:$0x3FFC];
	_ =	sdelay $0x3  }
0x94: {  	_ =	strace s3  }
0x95: {  	s3 =	sld [smem:$0x3FFD];
	_ =	sdelay $0x3  }
0x96: {  	_ =	strace s3  }
0x97: {  	_ =	strace $0x8FFFFFFF  }
0x98: {  	s19 =	sld [smem:$0x3FDB];
	_ =	sdelay $0x1  }
0x99: {  	s4 =	simm.s32 $_scs_section_size  }
0x9a: {  	s5 =	simm.s32 $_size__tile_overlayer_lowered;
	s6 =	simm.s32 $_tile_overlayer_lowered  }
0x9b: {  	s22 =	simm.s32 $0x1BFF;
	s21 =	sshll.u32 s6, $0x1;
	s3 =	sadd.s32 s4, s19  }
0x9c: {  	s7 =	simm.s32 $0x0;
	s20 =	sshll.u32 s5, $0x1;
	s5 =	sadd.s32 s21, s3  }
0x9d: {  	[timem:s7], [sflag:s22] =	dma.local [hbm:s5], s20  }
0x9e: {  	_ =	swait.ge [sflag:s22], s20  }
0x9f: {  	s4 =	ssub.s32 $0x0, s20;
	[sflag:s22] =	ssyncset.done $0x0  }
0xa0: {  	[sflag:s22] =	ssyncadd.s32 s4;
	_ =	sdelay $0x1  }
0xa1: {  	s23 =	simm.s32 $0x1B8B  }
0xa2: {  	_ =	swait.ge [sflag:s23], $0x1  }
0xa3: {  	[sflag:s23] =	ssyncset.done $0x0  }
0xa4: {  	s25 =	simm.s32 $0x1B8E;
	s24 =	sld [smem:$0x3FFE];
	[sflag:s23] =	ssyncadd.s32 $0xFFFFFFFF  }
0xa5: {  	s26 =	simm.s32 $execute0_lowered;
	[smem:$0x3FD2] =	sst s25  }
0xa6: {  	s5 =	sshll.u32 s26, $0x1;
	_ =	strace $0x80000046;
	[dreg:$0x1] =	wrdreg $0xFFFFFFFF  }
0xa7: {  	s28 =	simm.s32 $_size_execute0_lowered;
	s3 =	sadd.s32 s3, s5;
	[dreg:$0x0] =	wrdreg $0x0  }
0xa8: {  	s5 =	sshll.u32 s28, $0x1;
	[dreg:$0x2] =	wrdreg s3  }
0xa9: {  	[dreg:$0x3] =	wrdreg s5  }
0xaa: {  	[dreg:$0x4] =	wrdreg $0xC0  }
0xab: {  	_ =	task [dreg:s7], $0x5FFFF  }
0xac: {  	[dreg:$0x1] =	wrdreg $0xFFFFFFFF  }
0xad: {  	[dreg:$0x0] =	wrdreg $0x60  }
0xae: {  	[dreg:$0x2] =	wrdreg s2  }
0xaf: {  	[dreg:$0x3] =	wrdreg s24  }
0xb0: {  	[dreg:$0x4] =	wrdreg $0x9  }
0xb1: {  	_ =	task.clear_ibuf [dreg:s7], $0x5FFFF;
	_ =	strace $0x90000046  }
0xb2: {  	s29 =	simm.s32 $0x9;
	_ =	strace $0x80000048  }
0xb3: {  	_ =	swait.ge [sflag:s29], $0x1  }
0xb4: {  	[sflag:s29] =	ssyncadd.s32 $0xFFFFFFFF  }
0xb5: {  	_ =	strace $0x90000048  }
0xb6: {  	_ =	sfence  }
0xb7: {  	s30 =	sld [smem:$0x0];
	_ =	sdelay $0x2  }
0xb8: {  	s31 =	sshll.u32 s1, $0xD;
	s1 =	sshrl.u32 s1, $0x2  }
0xb9: {  	s3 =	sand.u32 $0x4000, s31;
	s1 =	sadd.s32 s1, s30  }
0xba: {  	s0 =	sor.u32 s3, s0;
	s1 =	sshll.u32 s1, $0x11  }
0xbb: {  	s0 =	sor.u32 s1, s0  }
0xbc: {  	s0 =	sadd.s32 $0x8F2B, s0  }
0xbd: {  	[sflag:s0] =	ssyncadd.remote.s32 $0x1  }
0xbe: {  	_ =	sfence.sel $0xFFFF  }
0xbf: {  	[dreg:$0x0] =	wrdreg $0xFFFFFFFF;
	(pc) =	sbr.abs _section_cstart, $3  }
0xc0: {  	[dreg:$0x1] =	wrdreg $0xFFFFFFFF  }
0xc1: {  	_ =	task.clear_ibuf [dreg:s7], $0x2FFFF;
	_ =	strace $0x9FFFFFFF  }
0xc2: {  	(tm) =	ssettm $0x7FFFFFFF  }
0xc3: {  	_ =	shalt  }
tec
execute0_lowered:
.L_overlay_start_1:
0x0: {  	(tag) =	ssettag $0x1  }
0x1: {  	s1 =	srdreg.scid;
	s0 =	stileid.u32  }
0x2: {  	s2 =	rddreg [dreg:$0x0];
	s6 =	sand.u32 $0x1, s1;
	s30 =	sshll.u32 s0, $0x1  }
0x3: {  	s8 =	rddreg [dreg:$0x1];
	s7 =	sor.u32 s6, s30  }
0x4: {  	s3 =	simm.s32 $0x0;
	s1 =	rddreg [dreg:$0x2];
	s4 =	smul.u32 $0x271, s7  }
0x5: {  	[smem:$0x7FF] =	sst s3  }
0x6: {  	_ =	strace $0x80000047;
	s10 =	ssub.s32 $0x2, s6;
	s4 =	sadd.s32 s4, s8  }
0x7: {  	s6 =	simm.s32 $0x1388;
	s5 =	sadd.s32 $0x4400, s4;
	s4 =	simm.s32 $0x2  }
0x8: {  	[tilespmem:s3], [sflag:$0x2] =	stream.linear.gather [hbm4b:s5+s3], $0x1388, $0x38;
	[tilespmem:$0x14C08] =	vst v63  }
0x9: {  	s9 =	smul.u32 $0x2710, s7;
	s11 =	sshrl.u32 s10, $0x1;
	_ =	swait.ge [sflag:s4], $0x1388  }
0xa: {  	s7 =	simm.s32 $0x1;
	s31 =	ssub.s32 s10, s11;
	[sflag:s4] =	ssyncset.done $0x0  }
0xb: {  	s8 =	sadd.s32 s9, s8;
	s9 =	smax.u32 s31, $0x1;
	[sflag:s4] =	ssyncadd.s32 $0xFFFFEC78  }
0xc: {  	[tilespmem:s6], [sflag:$0x1] =	stream.indirect.gather [hbm4b:s2+s6], $0x10, s3, s6, $0xb8;
	[tilespmem:$0x14C08] =	vst v63  }
0xd: {  	p0 =	sne.s32 s9, $0x1;
	_ =	swait.ge [sflag:s7], $0x13880  }
.Ltmp0:
0xe: {  	[sflag:s7] =	ssyncset.done $0x0;
	(pc) =	sbr.rel @!p0 .LBB2_2-.Ltmp0, $4  }
0xf: {  	s8 =	sadd.s32 $0x9400, s8;
	[sflag:s7] =	ssyncadd.s32 $0xFFFEC780  }
0x10: {  	[hbm4b:s8+s3] =	stream.linear.scatter [tilespmem:s6], [sflag:$0x2], $0x13880, $0x38;
	[tilespmem:$0x14C08] =	vst v63  }
0x11: {  	_ =	swait.ge [sflag:s4], $0x13880  }
0x12: {  	s9 =	sadd.s32 $0xFFFFFFFF, s9;
	[sflag:s4] =	ssyncset.done $0x0  }
.LBB2_1:
0x13: {  	p0 =	sne.s32 s9, $0x1;
	s9 =	sadd.s32 $0xFFFFFFFF, s9;
	[sflag:s4] =	ssyncadd.s32 $0xFFFEC780  }
0x14: {  	[tilespmem:s3], [sflag:$0x2] =	stream.linear.gather [hbm4b:s5+s3], $0x1388, $0x38;
	[tilespmem:$0x14C08] =	vst v63  }
0x15: {  	_ =	swait.ge [sflag:s4], $0x1388  }
0x16: {  	[sflag:s4] =	ssyncset.done $0x0  }
0x17: {  	[sflag:s4] =	ssyncadd.s32 $0xFFFFEC78  }
0x18: {  	[tilespmem:s6], [sflag:$0x1] =	stream.indirect.gather [hbm4b:s2+s6], $0x10, s3, s6, $0xb8;
	[tilespmem:$0x14C08] =	vst v63  }
0x19: {  	_ =	swait.ge [sflag:s7], $0x13880  }
.Ltmp1:
0x1a: {  	[sflag:s7] =	ssyncset.done $0x0;
	(pc) =	sbr.rel @p0 .LBB2_1-.Ltmp1, $4  }
0x1b: {  	[sflag:s7] =	ssyncadd.s32 $0xFFFEC780  }
0x1c: {  	[hbm4b:s8+s3] =	stream.linear.scatter [tilespmem:s6], [sflag:$0x2], $0x13880, $0x38;
	[tilespmem:$0x14C08] =	vst v63  }
0x1d: {  	_ =	swait.ge [sflag:s4], $0x13880  }
0x1e: {  	[sflag:s4] =	ssyncset.done $0x0  }
.LBB2_2:
0x1f: {  	[sflag:s4] =	ssyncadd.s32 $0xFFFEC780  }
0x20: {  	_ =	sfence.sel $0x180000  }
0x21: {  	[bflag:$0x0] =	sbarrier.arrive $0xFFFF  }
0x22: {  	p0 =	sne.s32 s0, $0x0;
	_ =	strace $0x90000047  }
0x23: {  	s0 =	sadd.s32 @!p0 $0x100000, s1;
	[bflag:$0x2] =	sbarrier.arrive $0xFFFF  }
0x24: {  	[sflag:s0] =	ssyncadd.tile.s32 @!p0 $0x1;
	_ =	shalt  }
.Lfunc_end2:
_tile_overlayer_lowered:
.L_overlay_start_2:
0x25: {  	(tag) =	ssettag $0x2  }
0x26: {  	s0 =	rddreg [dreg:$0x0];
	s2 =	stileid.u32  }
0x27: {  	s1 =	rddreg [dreg:$0x1];
	p0 =	sne.s32 s2, $0x0  }
0x28: {  	s3 =	rddreg [dreg:$0x2];
	[bflag:$0x3] =	sbarrier.arrive $0xFFFF;
	s2 =	simm.s32 @!p0 $0x1C02  }
0x29: {  	[timem:s3], [sflag:s2] =	dma.local @!p0 [hbm:s0], s1  }
0x2a: {  	s0 =	simm.s32 @!p0 $0x2  }
0x2b: {  	_ =	swait.ge @!p0 [sflag:s0], s1  }
0x2c: {  	s1 =	ssub.s32 @!p0 $0x0, s1;
	[sflag:s0] =	ssyncset.done @!p0 $0x0  }
0x2d: {  	[sflag:s0] =	ssyncadd.s32 @!p0 s1  }
0x2e: {  	[bflag:$0x3] =	sbarrier.arrive $0xFFFF  }
0x2f: {  	_ =	shalt  }

// kernel: kernel.14.cloned.1.call-start
scs
__scs_entry_jumppad:
0x0: {  	(pc) =	sbr.rel $0x88, $3  }
0x1: {  	(tag) =	ssettag $0x0;
	lr =	simm.s32 $0x1  }
0x2: {  	[smem:$0x3F8E] =	sst lr;
	_ =	strace $0xD0000000  }
0x3: {  	_ = 	snop  }
0x4: {  	_ = 	snop  }
0x5: {  	_ = 	snop  }
0x6: {  	_ = 	snop  }
0x7: {  	_ = 	snop  }
__scs_overlays_trampoline_lowered:
0x8: {  	[smem:$0x3F9D] =	sst s0  }
0x9: {  	[smem:$0x3F9E] =	sst s1  }
0xa: {  	[smem:$0x3F9F] =	sst s2  }
0xb: {  	[smem:$0x3FA0] =	sst s3  }
0xc: {  	[smem:$0x3FA1] =	sst s4  }
0xd: {  	[smem:$0x3FA2] =	sst s5  }
0xe: {  	[smem:$0x3FA3] =	sst s6  }
0xf: {  	[smem:$0x3FA4] =	sst s7  }
0x10: {  	[smem:$0x3FA5] =	sst s8  }
0x11: {  	[smem:$0x3FA6] =	sst s9;
	s0 =	simm.s32 @!p0 $0x0  }
0x12: {  	s1 =	sld [smem:$0x3F8C];
	s0 =	simm.s32 @p0 $0x1  }
0x13: {  	[smem:$0x3FA7] =	sst s0;
	s0 =	simm.s32 @!p1 $0x0  }
0x14: {  	s2 =	sld [smem:$0x3F8B];
	s0 =	simm.s32 @p1 $0x1  }
0x15: {  	[smem:$0x3FA8] =	sst s0;
	s0 =	simm.s32 @!p2 $0x0  }
0x16: {  	s3 =	sld [smem:$0x3FDB];
	s0 =	simm.s32 @p2 $0x1  }
0x17: {  	s4 =	simm.s32 $0x1BF5;
	[smem:$0x3FAA] =	sst s0  }
0x18: {  	s0 =	sld [smem:$0x3F8D];
	_ =	swait.ge [sflag:s4], $0x0  }
0x19: {  	s7 =	sld [smem:$0x3F8E]  }
0x1a: {  	s8 =	sadd.s32 $0xFFFFE003, lr  }
0x1b: {  	s9 =	sadd.s32 $0xFFFFFEF7, lr;
	s5 =	simm.s32 $0xFFFFFFFF;
	p2 =	slt.u32 s8, $0xFFFFF086  }
0x1c: {  	p1 =	slt.u32 s9, $0xF7A;
	s5 =	simm.s32 @!p2 $0x0  }
0x1d: {  	s5 =	simm.s32 @p1 $0x1;
	p0 =	seq.s32 s7, s2  }
0x1e: {  	s7 =	smul.u32 @!p0 $0xF7A, s2;
	p2 =	seq.s32 @!p0 s5, $0x0  }
0x1f: {  	s9 =	smul.u32 $0xF7A, s1;
	s8 =	simm.s32 @!p0 $0x1BF5;
	p2 =	por !p2, p0  }
0x20: {  	[sflag:s8] =	ssyncset.s32 @!p0 $0xFFFFF086;
	s6 =	sadd.s32 @!p0 s3, s7;
	s7 =	simm.s32 @!p0 $0x108  }
0x21: {  	s3 =	sadd.s32 s3, s9;
	s6 =	sadd.s32 @!p0 $0x88, s6;
	s7 =	simm.s32 @p2 $0x1082  }
0x22: {  	[simem:s7], [sflag:s8] =	dma.local @!p0 [hbm:s6], $0xF7A  }
0x23: {  	s9 =	sor.u32 $0xD0000000, s2;
	s6 =	simm.s32 $0x108;
	_ =	swait.ge @!p0 [sflag:s8], $0x0  }
0x24: {  	s3 =	sadd.s32 $0x88, s3;
	s6 =	simm.s32 @!p1 $0x1082;
	[sflag:s4] =	ssyncset.s32 $0xFFFFF086  }
0x25: {  	[simem:s6], [sflag:s4] =	dma.local [hbm:s3], $0xF7A  }
0x26: {  	[smem:$0x3F8E] =	sst s1;
	(tag) =	ssettag s2;
	_ =	strace s9  }
0x27: {  	s1 =	sld [smem:$0x3F9E]  }
0x28: {  	s2 =	sld [smem:$0x3F9F]  }
0x29: {  	s4 =	sld [smem:$0x3FA1]  }
0x2a: {  	p0 =	seq.s32 s5, $0x0;
	s5 =	sld [smem:$0x3FA2]  }
0x2b: {  	s6 =	sld [smem:$0x3FA3]  }
0x2c: {  	s7 =	sld [smem:$0x3FA4]  }
0x2d: {  	s3 =	simm.s32 $0x108;
	s8 =	sld [smem:$0x3FA5]  }
0x2e: {  	s3 =	simm.s32 @!p0 $0x1082;
	s9 =	sld [smem:$0x3FA6]  }
0x2f: {  	lr =	sadd.s32 s0, s3;
	s0 =	sld [smem:$0x3F9D]  }
0x30: {  	s3 =	sld [smem:$0x3FA0]  }
0x31: {  	[smem:$0x3FA9] =	sst s10  }
0x32: {  	s10 =	sld [smem:$0x3FA7];
	_ =	sdelay $0x3  }
0x33: {  	p0 =	seq.s32 s10, $0x1;
	s10 =	sld [smem:$0x3FA9];
	_ =	sdelay $0x3  }
0x34: {  	[smem:$0x3FA9] =	sst s10  }
0x35: {  	s10 =	sld [smem:$0x3FA8];
	_ =	sdelay $0x3  }
0x36: {  	p1 =	seq.s32 s10, $0x1;
	s10 =	sld [smem:$0x3FA9];
	_ =	sdelay $0x3  }
0x37: {  	[smem:$0x3FA9] =	sst s10  }
0x38: {  	s10 =	sld [smem:$0x3FAA]  }
0x39: {  	_ = 	snop;
	(pc) =	sbr.ind lr, $3  }
0x3a: {  	_ = 	snop  }
0x3b: {  	_ = 	snop  }
0x3c: {  	p2 =	seq.s32 s10, $0x1;
	s10 =	sld [smem:$0x3FA9]  }
0x3d: {  	_ =	shalt  }
0x3e: {  	_ =	shalt  }
0x3f: {  	_ =	shalt  }
0x40: {  	_ =	shalt  }
0x41: {  	_ =	shalt  }
0x42: {  	_ =	shalt  }
0x43: {  	_ =	shalt  }
0x44: {  	_ =	shalt  }
0x45: {  	_ =	shalt  }
0x46: {  	_ =	shalt  }
0x47: {  	_ =	shalt  }
0x48: {  	_ =	shalt  }
0x49: {  	_ =	shalt  }
0x4a: {  	_ =	shalt  }
0x4b: {  	_ =	shalt  }
0x4c: {  	_ =	shalt  }
0x4d: {  	_ =	shalt  }
0x4e: {  	_ =	shalt  }
0x4f: {  	_ =	shalt  }
0x50: {  	_ =	shalt  }
0x51: {  	_ =	shalt  }
0x52: {  	_ =	shalt  }
0x53: {  	_ =	shalt  }
0x54: {  	_ =	shalt  }
0x55: {  	_ =	shalt  }
0x56: {  	_ =	shalt  }
0x57: {  	_ =	shalt  }
0x58: {  	_ =	shalt  }
0x59: {  	_ =	shalt  }
0x5a: {  	_ =	shalt  }
0x5b: {  	_ =	shalt  }
0x5c: {  	_ =	shalt  }
0x5d: {  	_ =	shalt  }
0x5e: {  	_ =	shalt  }
0x5f: {  	_ =	shalt  }
0x60: {  	_ =	shalt  }
0x61: {  	_ =	shalt  }
0x62: {  	_ =	shalt  }
0x63: {  	_ =	shalt  }
0x64: {  	_ =	shalt  }
0x65: {  	_ =	shalt  }
0x66: {  	_ =	shalt  }
0x67: {  	_ =	shalt  }
0x68: {  	_ =	shalt  }
0x69: {  	_ =	shalt  }
0x6a: {  	_ =	shalt  }
0x6b: {  	_ =	shalt  }
0x6c: {  	_ =	shalt  }
0x6d: {  	_ =	shalt  }
0x6e: {  	_ =	shalt  }
0x6f: {  	_ =	shalt  }
0x70: {  	_ =	shalt  }
0x71: {  	_ =	shalt  }
0x72: {  	_ =	shalt  }
0x73: {  	_ =	shalt  }
0x74: {  	_ =	shalt  }
0x75: {  	_ =	shalt  }
0x76: {  	_ =	shalt  }
0x77: {  	_ =	shalt  }
0x78: {  	_ =	shalt  }
0x79: {  	_ =	shalt  }
0x7a: {  	_ =	shalt  }
0x7b: {  	_ =	shalt  }
0x7c: {  	_ =	shalt  }
0x7d: {  	_ =	shalt  }
0x7e: {  	_ =	shalt  }
0x7f: {  	_ =	shalt  }
0x80: {  	_ =	shalt  }
0x81: {  	_ =	shalt  }
0x82: {  	_ =	shalt  }
0x83: {  	_ =	shalt  }
0x84: {  	_ =	shalt  }
0x85: {  	_ =	shalt  }
0x86: {  	_ =	shalt  }
0x87: {  	_ =	shalt  }
.Lfunc_end0:
.L_simem_size_0:
called_computation.1_lowered:
.L_overlay_start_0:
0x88: {  	s2 =	sld [smem:$0x3FD9]  }
0x89: {  	s3 =	sld [smem:$0x3FFE];
	_ =	sdelay $0x1  }
0x8a: {  	s1 =	srdreg.scid  }
0x8b: {  	s0 =	sand.u32 $0x1, s1  }
0x8c: {  	s17 =	sshll.u32 s0, $0xA;
	s2 =	sadd.s32 s3, s2  }
0x8d: {  	s2 =	sadd.s32 s2, s17  }
0x8e: {  	[smem:$0x3FB5] =	sst s2  }
0x8f: {  	_ = 	snop  }
0x90: {  	s2 =	sld [smem:$0x3FD0];
	(tm) =	ssettm $0x1  }
0x91: {  	s18 =	sld [smem:$0x3FFB];
	_ =	sdelay $0x3  }
0x92: {  	_ =	strace s18  }
0x93: {  	s3 =	sld [smem:$0x3FFC];
	_ =	sdelay $0x3  }
0x94: {  	_ =	strace s3  }
0x95: {  	s3 =	sld [smem:$0x3FFD];
	_ =	sdelay $0x3  }
0x96: {  	_ =	strace s3  }
0x97: {  	_ =	strace $0x8FFFFFFF  }
0x98: {  	s19 =	sld [smem:$0x3FDB];
	_ =	sdelay $0x1  }
0x99: {  	s4 =	simm.s32 $_scs_section_size  }
0x9a: {  	s5 =	simm.s32 $_size__tile_overlayer_lowered;
	s6 =	simm.s32 $_tile_overlayer_lowered  }
0x9b: {  	s22 =	simm.s32 $0x1BFF;
	s21 =	sshll.u32 s6, $0x1;
	s3 =	sadd.s32 s4, s19  }
0x9c: {  	s7 =	simm.s32 $0x0;
	s20 =	sshll.u32 s5, $0x1;
	s5 =	sadd.s32 s21, s3  }
0x9d: {  	[timem:s7], [sflag:s22] =	dma.local [hbm:s5], s20  }
0x9e: {  	_ =	swait.ge [sflag:s22], s20  }
0x9f: {  	s4 =	ssub.s32 $0x0, s20;
	[sflag:s22] =	ssyncset.done $0x0  }
0xa0: {  	[sflag:s22] =	ssyncadd.s32 s4;
	_ =	sdelay $0x1  }
0xa1: {  	s23 =	simm.s32 $0x1B8B  }
0xa2: {  	_ =	swait.ge [sflag:s23], $0x1  }
0xa3: {  	[sflag:s23] =	ssyncset.done $0x0  }
0xa4: {  	s25 =	simm.s32 $0x1B8E;
	s24 =	sld [smem:$0x3FFE];
	[sflag:s23] =	ssyncadd.s32 $0xFFFFFFFF  }
0xa5: {  	s26 =	simm.s32 $execute0_lowered;
	[smem:$0x3FD2] =	sst s25  }
0xa6: {  	s5 =	sshll.u32 s26, $0x1;
	_ =	strace $0x80000049;
	[dreg:$0x1] =	wrdreg $0xFFFFFFFF  }
0xa7: {  	s28 =	simm.s32 $_size_execute0_lowered;
	s3 =	sadd.s32 s3, s5;
	[dreg:$0x0] =	wrdreg $0x0  }
0xa8: {  	s5 =	sshll.u32 s28, $0x1;
	[dreg:$0x2] =	wrdreg s3  }
0xa9: {  	[dreg:$0x3] =	wrdreg s5  }
0xaa: {  	[dreg:$0x4] =	wrdreg $0xC0  }
0xab: {  	_ =	task [dreg:s7], $0x5FFFF  }
0xac: {  	[dreg:$0x1] =	wrdreg $0xFFFFFFFF  }
0xad: {  	[dreg:$0x0] =	wrdreg $0x60  }
0xae: {  	[dreg:$0x2] =	wrdreg s24  }
0xaf: {  	[dreg:$0x3] =	wrdreg s2  }
0xb0: {  	[dreg:$0x4] =	wrdreg $0x14C080  }
0xb1: {  	[dreg:$0x5] =	wrdreg $0x173180  }
0xb2: {  	[dreg:$0x6] =	wrdreg $0x9  }
0xb3: {  	_ =	task.clear_ibuf [dreg:s7], $0x7FFFF;
	_ =	strace $0x90000049  }
0xb4: {  	s29 =	simm.s32 $0x9;
	_ =	strace $0x8000004B  }
0xb5: {  	_ =	swait.ge [sflag:s29], $0x1  }
0xb6: {  	[sflag:s29] =	ssyncadd.s32 $0xFFFFFFFF  }
0xb7: {  	_ =	strace $0x9000004B  }
0xb8: {  	_ =	sfence  }
0xb9: {  	s30 =	sld [smem:$0x0];
	_ =	sdelay $0x2  }
0xba: {  	s31 =	sshll.u32 s1, $0xD;
	s1 =	sshrl.u32 s1, $0x2  }
0xbb: {  	s3 =	sand.u32 $0x4000, s31;
	s1 =	sadd.s32 s1, s30  }
0xbc: {  	s0 =	sor.u32 s3, s0;
	s1 =	sshll.u32 s1, $0x11  }
0xbd: {  	s0 =	sor.u32 s1, s0  }
0xbe: {  	s0 =	sadd.s32 $0x8F2B, s0  }
0xbf: {  	[sflag:s0] =	ssyncadd.remote.s32 $0x1  }
0xc0: {  	_ =	sfence.sel $0xFFFF  }
0xc1: {  	[dreg:$0x0] =	wrdreg $0xFFFFFFFF;
	(pc) =	sbr.abs _section_cstart, $3  }
0xc2: {  	[dreg:$0x1] =	wrdreg $0xFFFFFFFF  }
0xc3: {  	_ =	task.clear_ibuf [dreg:s7], $0x2FFFF;
	_ =	strace $0x9FFFFFFF  }
0xc4: {  	(tm) =	ssettm $0x7FFFFFFF  }
0xc5: {  	_ =	shalt  }
tec
execute0_lowered:
.L_overlay_start_1:
0x0: {  	(tag) =	ssettag $0x1  }
0x1: {  	s6 =	rddreg [dreg:$0x0]  }
0x2: {  	s10 =	rddreg [dreg:$0x1]  }
0x3: {  	s1 =	srdreg.scid;
	s2 =	rddreg [dreg:$0x2]  }
0x4: {  	s0 =	stileid.u32;
	s3 =	rddreg [dreg:$0x3];
	s4 =	simm.s32 $0x0  }
0x5: {  	s18 =	simm.s32 $0x0;
	s5 =	sand.u32 $0x1, s1;
	s1 =	rddreg [dreg:$0x4]  }
0x6: {  	s25 =	sshll.u32 s0, $0x1;
	s9 =	smul.u32 $0x2710, s0;
	[smem:$0x7FF] =	sst s4  }
0x7: {  	s31 =	sshll.u32 s0, $0x6;
	s7 =	sor.u32 s5, s25;
	s11 =	smul.u32 $0x27100, s5  }
0x8: {  	_ =	strace $0x8000004A;
	s29 =	ssub.s32 $0x2, s5;
	s8 =	smul.u32 $0x2710, s7  }
0x9: {  	s5 =	sadd.s32 $0x2CD600, s6;
	s7 =	smul.u32 $0x271, s7;
	s30 =	sshrl.u32 s29, $0x1  }
0xa: {  	s26 =	sadd.s32 s9, s11;
	s15 =	ssub.s32 s29, s30;
	s12 =	sadd.s32 s8, s6  }
0xb: {  	s28 =	sadd.s32 s7, s6;
	s13 =	sshrl.u32 s26, $0x3;
	s7 =	sadd.s32 s9, s3  }
0xc: {  	s14 =	sadd.s32 s13, s6;
	s6 =	sadd.s32 s9, s2;
	s8 =	sadd.s32 $0x57600, s28  }
0xd: {  	s9 =	sadd.s32 $0x9400, s12;
	s10 =	sadd.s32 s10, s13;
	s12 =	smax.u32 s15, $0x1  }
0xe: {  	s13 =	simm.s32 $0x1388;
	s15 =	sor.u32 $0x1C01, s31;
	s17 =	sshrl.u32 s7, $0x3  }
0xf: {  	v0 =	vimm.f32 $0.0e+00;
	s11 =	sadd.s32 $0x2CFE00, s14;
	s14 =	simm.s32 $0x1;
	s16 =	sshrl.u32 s6, $0x3  }
.LBB2_1:
0x10: {  	s19 =	simm.s32 $0x40;
	s20 =	simm.s32 $0x0  }
.LBB2_2:
0x11: {  	p0 =	sne.s32 s19, $0x9C00;
	[tilespmem:s20+$0x1388] =	vst v0;
	s20 =	smov.u32 s19;
	s19 =	sadd.s32 $0x40, s19  }
.Ltmp0:
0x12: {  	(pc) =	sbr.rel @p0 .LBB2_2-.Ltmp0, $2  }
0x13: {  	_ =	sdelay $0x2  }
0x14: {  	s20 =	sshra.s32 s20, $0x2  }
0x15: {  	[tilespmem:s20+$0x1388] =	vst v0  }
0x16: {  	[spmem:s6] =	stream.linear.scatter [tilespmem:s13], [sflag:$0x1], $0x2710, $0x38;
	[tilespmem:$0x19A28] =	vst v63  }
0x17: {  	_ =	swait.ge [sflag:s14], $0x2710  }
0x18: {  	[sflag:s14] =	ssyncset.done $0x0  }
0x19: {  	[sflag:s14] =	ssyncadd.s32 $0xFFFFD8F0  }
0x1a: {  	[spmem:s7] =	stream.linear.scatter [tilespmem:s13], [sflag:$0x1], $0x2710, $0x38;
	[tilespmem:$0x19A28] =	vst v63  }
0x1b: {  	_ =	swait.ge [sflag:s14], $0x2710  }
0x1c: {  	[sflag:s14] =	ssyncset.done $0x0  }
0x1d: {  	[sflag:s14] =	ssyncadd.s32 $0xFFFFD8F0  }
0x1e: {  	[bflag:$0x0] =	sbarrier.arrive $0xFFFF  }
0x1f: {  	[tilespmem:s4], [sflag:$0x1] =	stream.linear.gather [hbm4b:s8+s4], $0x1388, $0x38;
	[tilespmem:$0x19A28] =	vst v63  }
0x20: {  	_ =	swait.ge [sflag:s14], $0x1388  }
0x21: {  	[sflag:s14] =	ssyncset.done $0x0  }
0x22: {  	[sflag:s14] =	ssyncadd.s32 $0xFFFFEC78  }
0x23: {  	[tilespmem:s13], [sflag:$0x1] =	stream.linear.gather [hbm4b:s5+s4], $0x13880, $0x38;
	[tilespmem:$0x19A28] =	vst v63  }
0x24: {  	_ =	swait.ge [sflag:s14], $0x13880  }
0x25: {  	[sflag:s14] =	ssyncset.done $0x0  }
0x26: {  	[sflag:s14] =	ssyncadd.s32 $0xFFFEC780  }
0x27: {  	[spmem:s3] =	stream.indirect.scatter.add.f32 [tilespmem:s13], [sflag:$0x1], $0x10, s4, s13, $0xb8;
	[tilespmem:$0x19A28] =	vst v63  }
0x28: {  	_ =	swait.ge [sflag:s14], $0x13880  }
0x29: {  	[sflag:s14] =	ssyncset.done $0x0  }
0x2a: {  	[sflag:s14] =	ssyncadd.s32 $0xFFFEC780  }
0x2b: {  	[tilespmem:s13], [sflag:$0x1] =	stream.linear.gather [hbm4b:s9+s4], $0x13880, $0x38;
	[tilespmem:$0x19A28] =	vst v63  }
0x2c: {  	_ =	swait.ge [sflag:s14], $0x13880  }
0x2d: {  	[sflag:s14] =	ssyncset.done $0x0  }
0x2e: {  	[sflag:s14] =	ssyncadd.s32 $0xFFFEC780  }
0x2f: {  	[spmem:s2] =	stream.indirect.scatter.add.f32 [tilespmem:s13], [sflag:$0x1], $0x10, s4, s13, $0xb8;
	[tilespmem:$0x19A28] =	vst v63  }
0x30: {  	_ =	swait.ge [sflag:s14], $0x13880  }
0x31: {  	[sflag:s14] =	ssyncset.done $0x0  }
0x32: {  	[sflag:s14] =	ssyncadd.s32 $0xFFFEC780  }
0x33: {  	[bflag:$0x0] =	sbarrier.arrive $0xFFFF  }
0x34: {  	[hbm:s10], [sflag:s15] =	dma.local [spmem:s16], $0x4E2  }
0x35: {  	s18 =	sadd.s32 $0x1, s18;
	_ =	swait.ge [sflag:s14], $0x4E2  }
0x36: {  	p0 =	sne.s32 s18, s12;
	[sflag:s14] =	ssyncset.done $0x0  }
.Ltmp1:
0x37: {  	[sflag:s14] =	ssyncadd.s32 $0xFFFFFB1E;
	(pc) =	sbr.rel @p0 .LBB2_1-.Ltmp1, $4  }
0x38: {  	[hbm:s11], [sflag:s15] =	dma.local [spmem:s17], $0x4E2  }
0x39: {  	_ =	swait.ge [sflag:s14], $0x4E2  }
0x3a: {  	[sflag:s14] =	ssyncset.done $0x0  }
0x3b: {  	[sflag:s14] =	ssyncadd.s32 $0xFFFFFB1E  }
0x3c: {  	_ =	sfence.sel $0x180000  }
0x3d: {  	[bflag:$0x0] =	sbarrier.arrive $0xFFFF  }
0x3e: {  	p0 =	sne.s32 s0, $0x0;
	_ =	strace $0x9000004A  }
0x3f: {  	s0 =	sadd.s32 @!p0 $0x100000, s1;
	[bflag:$0x2] =	sbarrier.arrive $0xFFFF  }
0x40: {  	[sflag:s0] =	ssyncadd.tile.s32 @!p0 $0x1;
	_ =	shalt  }
.Lfunc_end2:
_tile_overlayer_lowered:
.L_overlay_start_2:
0x41: {  	(tag) =	ssettag $0x2  }
0x42: {  	s0 =	rddreg [dreg:$0x0];
	s2 =	stileid.u32  }
0x43: {  	s1 =	rddreg [dreg:$0x1];
	p0 =	sne.s32 s2, $0x0  }
0x44: {  	s3 =	rddreg [dreg:$0x2];
	[bflag:$0x3] =	sbarrier.arrive $0xFFFF;
	s2 =	simm.s32 @!p0 $0x1C01  }
0x45: {  	[timem:s3], [sflag:s2] =	dma.local @!p0 [hbm:s0], s1  }
0x46: {  	s0 =	simm.s32 @!p0 $0x1  }
0x47: {  	_ =	swait.ge @!p0 [sflag:s0], s1  }
0x48: {  	s1 =	ssub.s32 @!p0 $0x0, s1;
	[sflag:s0] =	ssyncset.done @!p0 $0x0  }
0x49: {  	[sflag:s0] =	ssyncadd.s32 @!p0 s1  }
0x4a: {  	[bflag:$0x3] =	sbarrier.arrive $0xFFFF  }
0x4b: {  	_ =	shalt  }

// kernel: kernel.17.cloned.1.call-start
scs
__scs_entry_jumppad:
0x0: {  	(pc) =	sbr.rel $0x88, $3  }
0x1: {  	(tag) =	ssettag $0x0;
	lr =	simm.s32 $0x1  }
0x2: {  	[smem:$0x3F8E] =	sst lr;
	_ =	strace $0xD0000000  }
0x3: {  	_ = 	snop  }
0x4: {  	_ = 	snop  }
0x5: {  	_ = 	snop  }
0x6: {  	_ = 	snop  }
0x7: {  	_ = 	snop  }
__scs_overlays_trampoline_lowered:
0x8: {  	[smem:$0x3F9D] =	sst s0  }
0x9: {  	[smem:$0x3F9E] =	sst s1  }
0xa: {  	[smem:$0x3F9F] =	sst s2  }
0xb: {  	[smem:$0x3FA0] =	sst s3  }
0xc: {  	[smem:$0x3FA1] =	sst s4  }
0xd: {  	[smem:$0x3FA2] =	sst s5  }
0xe: {  	[smem:$0x3FA3] =	sst s6  }
0xf: {  	[smem:$0x3FA4] =	sst s7  }
0x10: {  	[smem:$0x3FA5] =	sst s8  }
0x11: {  	[smem:$0x3FA6] =	sst s9;
	s0 =	simm.s32 @!p0 $0x0  }
0x12: {  	s1 =	sld [smem:$0x3F8C];
	s0 =	simm.s32 @p0 $0x1  }
0x13: {  	[smem:$0x3FA7] =	sst s0;
	s0 =	simm.s32 @!p1 $0x0  }
0x14: {  	s2 =	sld [smem:$0x3F8B];
	s0 =	simm.s32 @p1 $0x1  }
0x15: {  	[smem:$0x3FA8] =	sst s0;
	s0 =	simm.s32 @!p2 $0x0  }
0x16: {  	s3 =	sld [smem:$0x3FDB];
	s0 =	simm.s32 @p2 $0x1  }
0x17: {  	s4 =	simm.s32 $0x1BF5;
	[smem:$0x3FAA] =	sst s0  }
0x18: {  	s0 =	sld [smem:$0x3F8D];
	_ =	swait.ge [sflag:s4], $0x0  }
0x19: {  	s7 =	sld [smem:$0x3F8E]  }
0x1a: {  	s8 =	sadd.s32 $0xFFFFE003, lr  }
0x1b: {  	s9 =	sadd.s32 $0xFFFFFEF7, lr;
	s5 =	simm.s32 $0xFFFFFFFF;
	p2 =	slt.u32 s8, $0xFFFFF086  }
0x1c: {  	p1 =	slt.u32 s9, $0xF7A;
	s5 =	simm.s32 @!p2 $0x0  }
0x1d: {  	s5 =	simm.s32 @p1 $0x1;
	p0 =	seq.s32 s7, s2  }
0x1e: {  	s7 =	smul.u32 @!p0 $0xF7A, s2;
	p2 =	seq.s32 @!p0 s5, $0x0  }
0x1f: {  	s9 =	smul.u32 $0xF7A, s1;
	s8 =	simm.s32 @!p0 $0x1BF5;
	p2 =	por !p2, p0  }
0x20: {  	[sflag:s8] =	ssyncset.s32 @!p0 $0xFFFFF086;
	s6 =	sadd.s32 @!p0 s3, s7;
	s7 =	simm.s32 @!p0 $0x108  }
0x21: {  	s3 =	sadd.s32 s3, s9;
	s6 =	sadd.s32 @!p0 $0x88, s6;
	s7 =	simm.s32 @p2 $0x1082  }
0x22: {  	[simem:s7], [sflag:s8] =	dma.local @!p0 [hbm:s6], $0xF7A  }
0x23: {  	s9 =	sor.u32 $0xD0000000, s2;
	s6 =	simm.s32 $0x108;
	_ =	swait.ge @!p0 [sflag:s8], $0x0  }
0x24: {  	s3 =	sadd.s32 $0x88, s3;
	s6 =	simm.s32 @!p1 $0x1082;
	[sflag:s4] =	ssyncset.s32 $0xFFFFF086  }
0x25: {  	[simem:s6], [sflag:s4] =	dma.local [hbm:s3], $0xF7A  }
0x26: {  	[smem:$0x3F8E] =	sst s1;
	(tag) =	ssettag s2;
	_ =	strace s9  }
0x27: {  	s1 =	sld [smem:$0x3F9E]  }
0x28: {  	s2 =	sld [smem:$0x3F9F]  }
0x29: {  	s4 =	sld [smem:$0x3FA1]  }
0x2a: {  	p0 =	seq.s32 s5, $0x0;
	s5 =	sld [smem:$0x3FA2]  }
0x2b: {  	s6 =	sld [smem:$0x3FA3]  }
0x2c: {  	s7 =	sld [smem:$0x3FA4]  }
0x2d: {  	s3 =	simm.s32 $0x108;
	s8 =	sld [smem:$0x3FA5]  }
0x2e: {  	s3 =	simm.s32 @!p0 $0x1082;
	s9 =	sld [smem:$0x3FA6]  }
0x2f: {  	lr =	sadd.s32 s0, s3;
	s0 =	sld [smem:$0x3F9D]  }
0x30: {  	s3 =	sld [smem:$0x3FA0]  }
0x31: {  	[smem:$0x3FA9] =	sst s10  }
0x32: {  	s10 =	sld [smem:$0x3FA7];
	_ =	sdelay $0x3  }
0x33: {  	p0 =	seq.s32 s10, $0x1;
	s10 =	sld [smem:$0x3FA9];
	_ =	sdelay $0x3  }
0x34: {  	[smem:$0x3FA9] =	sst s10  }
0x35: {  	s10 =	sld [smem:$0x3FA8];
	_ =	sdelay $0x3  }
0x36: {  	p1 =	seq.s32 s10, $0x1;
	s10 =	sld [smem:$0x3FA9];
	_ =	sdelay $0x3  }
0x37: {  	[smem:$0x3FA9] =	sst s10  }
0x38: {  	s10 =	sld [smem:$0x3FAA]  }
0x39: {  	_ = 	snop;
	(pc) =	sbr.ind lr, $3  }
0x3a: {  	_ = 	snop  }
0x3b: {  	_ = 	snop  }
0x3c: {  	p2 =	seq.s32 s10, $0x1;
	s10 =	sld [smem:$0x3FA9]  }
0x3d: {  	_ =	shalt  }
0x3e: {  	_ =	shalt  }
0x3f: {  	_ =	shalt  }
0x40: {  	_ =	shalt  }
0x41: {  	_ =	shalt  }
0x42: {  	_ =	shalt  }
0x43: {  	_ =	shalt  }
0x44: {  	_ =	shalt  }
0x45: {  	_ =	shalt  }
0x46: {  	_ =	shalt  }
0x47: {  	_ =	shalt  }
0x48: {  	_ =	shalt  }
0x49: {  	_ =	shalt  }
0x4a: {  	_ =	shalt  }
0x4b: {  	_ =	shalt  }
0x4c: {  	_ =	shalt  }
0x4d: {  	_ =	shalt  }
0x4e: {  	_ =	shalt  }
0x4f: {  	_ =	shalt  }
0x50: {  	_ =	shalt  }
0x51: {  	_ =	shalt  }
0x52: {  	_ =	shalt  }
0x53: {  	_ =	shalt  }
0x54: {  	_ =	shalt  }
0x55: {  	_ =	shalt  }
0x56: {  	_ =	shalt  }
0x57: {  	_ =	shalt  }
0x58: {  	_ =	shalt  }
0x59: {  	_ =	shalt  }
0x5a: {  	_ =	shalt  }
0x5b: {  	_ =	shalt  }
0x5c: {  	_ =	shalt  }
0x5d: {  	_ =	shalt  }
0x5e: {  	_ =	shalt  }
0x5f: {  	_ =	shalt  }
0x60: {  	_ =	shalt  }
0x61: {  	_ =	shalt  }
0x62: {  	_ =	shalt  }
0x63: {  	_ =	shalt  }
0x64: {  	_ =	shalt  }
0x65: {  	_ =	shalt  }
0x66: {  	_ =	shalt  }
0x67: {  	_ =	shalt  }
0x68: {  	_ =	shalt  }
0x69: {  	_ =	shalt  }
0x6a: {  	_ =	shalt  }
0x6b: {  	_ =	shalt  }
0x6c: {  	_ =	shalt  }
0x6d: {  	_ =	shalt  }
0x6e: {  	_ =	shalt  }
0x6f: {  	_ =	shalt  }
0x70: {  	_ =	shalt  }
0x71: {  	_ =	shalt  }
0x72: {  	_ =	shalt  }
0x73: {  	_ =	shalt  }
0x74: {  	_ =	shalt  }
0x75: {  	_ =	shalt  }
0x76: {  	_ =	shalt  }
0x77: {  	_ =	shalt  }
0x78: {  	_ =	shalt  }
0x79: {  	_ =	shalt  }
0x7a: {  	_ =	shalt  }
0x7b: {  	_ =	shalt  }
0x7c: {  	_ =	shalt  }
0x7d: {  	_ =	shalt  }
0x7e: {  	_ =	shalt  }
0x7f: {  	_ =	shalt  }
0x80: {  	_ =	shalt  }
0x81: {  	_ =	shalt  }
0x82: {  	_ =	shalt  }
0x83: {  	_ =	shalt  }
0x84: {  	_ =	shalt  }
0x85: {  	_ =	shalt  }
0x86: {  	_ =	shalt  }
0x87: {  	_ =	shalt  }
.Lfunc_end0:
.L_simem_size_0:
called_computation.2_lowered:
.L_overlay_start_0:
0x88: {  	s2 =	sld [smem:$0x3FD9]  }
0x89: {  	s3 =	sld [smem:$0x3FFE];
	_ =	sdelay $0x1  }
0x8a: {  	s1 =	srdreg.scid  }
0x8b: {  	s0 =	sand.u32 $0x1, s1  }
0x8c: {  	s16 =	sshll.u32 s0, $0xA;
	s2 =	sadd.s32 s3, s2  }
0x8d: {  	s2 =	sadd.s32 s2, s16  }
0x8e: {  	[smem:$0x3FB5] =	sst s2  }
0x8f: {  	_ = 	snop  }
0x90: {  	(tm) =	ssettm $0x1  }
0x91: {  	s17 =	sld [smem:$0x3FFB];
	_ =	sdelay $0x3  }
0x92: {  	_ =	strace s17  }
0x93: {  	s2 =	sld [smem:$0x3FFC];
	_ =	sdelay $0x3  }
0x94: {  	_ =	strace s2  }
0x95: {  	s2 =	sld [smem:$0x3FFD];
	_ =	sdelay $0x3  }
0x96: {  	_ =	strace s2  }
0x97: {  	_ =	strace $0x8FFFFFFF  }
0x98: {  	s18 =	sld [smem:$0x3FDB];
	_ =	sdelay $0x1  }
0x99: {  	s19 =	simm.s32 $_scs_section_size  }
0x9a: {  	s4 =	simm.s32 $_size__tile_overlayer_lowered;
	s5 =	simm.s32 $_tile_overlayer_lowered  }
0x9b: {  	s22 =	simm.s32 $0x1BFF;
	s21 =	sshll.u32 s5, $0x1;
	s2 =	sadd.s32 s19, s18  }
0x9c: {  	s6 =	simm.s32 $0x0;
	s20 =	sshll.u32 s4, $0x1;
	s4 =	sadd.s32 s21, s2  }
0x9d: {  	[timem:s6], [sflag:s22] =	dma.local [hbm:s4], s20  }
0x9e: {  	_ =	swait.ge [sflag:s22], s20  }
0x9f: {  	s3 =	ssub.s32 $0x0, s20;
	[sflag:s22] =	ssyncset.done $0x0  }
0xa0: {  	[sflag:s22] =	ssyncadd.s32 s3;
	_ =	sdelay $0x1  }
0xa1: {  	s23 =	simm.s32 $0x1B8B  }
0xa2: {  	_ =	swait.ge [sflag:s23], $0x1  }
0xa3: {  	[sflag:s23] =	ssyncset.done $0x0  }
0xa4: {  	s25 =	simm.s32 $0x1B8E;
	s24 =	sld [smem:$0x3FFE];
	[sflag:s23] =	ssyncadd.s32 $0xFFFFFFFF  }
0xa5: {  	s26 =	simm.s32 $execute0_lowered;
	[smem:$0x3FD2] =	sst s25  }
0xa6: {  	s4 =	sshll.u32 s26, $0x1;
	_ =	strace $0x8000004C;
	[dreg:$0x1] =	wrdreg $0xFFFFFFFF  }
0xa7: {  	s28 =	simm.s32 $_size_execute0_lowered;
	s2 =	sadd.s32 s2, s4;
	[dreg:$0x0] =	wrdreg $0x0  }
0xa8: {  	s4 =	sshll.u32 s28, $0x1;
	[dreg:$0x2] =	wrdreg s2  }
0xa9: {  	[dreg:$0x3] =	wrdreg s4  }
0xaa: {  	[dreg:$0x4] =	wrdreg $0xC0  }
0xab: {  	_ =	task [dreg:s6], $0x5FFFF  }
0xac: {  	[dreg:$0x1] =	wrdreg $0xFFFFFFFF  }
0xad: {  	[dreg:$0x0] =	wrdreg $0x60  }
0xae: {  	[dreg:$0x2] =	wrdreg s24  }
0xaf: {  	[dreg:$0x3] =	wrdreg $0x9  }
0xb0: {  	_ =	task.clear_ibuf [dreg:s6], $0x4FFFF;
	_ =	strace $0x9000004C  }
0xb1: {  	s29 =	simm.s32 $0x9;
	_ =	strace $0x8000004E  }
0xb2: {  	_ =	swait.ge [sflag:s29], $0x1  }
0xb3: {  	[sflag:s29] =	ssyncadd.s32 $0xFFFFFFFF  }
0xb4: {  	_ =	strace $0x9000004E  }
0xb5: {  	_ =	sfence  }
0xb6: {  	s30 =	sld [smem:$0x0];
	_ =	sdelay $0x2  }
0xb7: {  	s31 =	sshll.u32 s1, $0xD;
	s1 =	sshrl.u32 s1, $0x2  }
0xb8: {  	s3 =	sand.u32 $0x4000, s31;
	s1 =	sadd.s32 s1, s30  }
0xb9: {  	s0 =	sor.u32 s3, s0;
	s1 =	sshll.u32 s1, $0x11  }
0xba: {  	s0 =	sor.u32 s1, s0  }
0xbb: {  	s0 =	sadd.s32 $0x8F2B, s0  }
0xbc: {  	[sflag:s0] =	ssyncadd.remote.s32 $0x1  }
0xbd: {  	_ =	sfence.sel $0xFFFF  }
0xbe: {  	[dreg:$0x0] =	wrdreg $0xFFFFFFFF;
	(pc) =	sbr.abs _section_cstart, $3  }
0xbf: {  	[dreg:$0x1] =	wrdreg $0xFFFFFFFF  }
0xc0: {  	_ =	task.clear_ibuf [dreg:s6], $0x2FFFF;
	_ =	strace $0x9FFFFFFF  }
0xc1: {  	(tm) =	ssettm $0x7FFFFFFF  }
tec
execute0_lowered:
.L_overlay_start_1:
0x0: {  	(tag) =	ssettag $0x1  }
0x1: {  	s1 =	srdreg.scid;
	s0 =	stileid.u32  }
0x2: {  	s6 =	sand.u32 $0x1, s1;
	s30 =	sshll.u32 s0, $0x1  }
0x3: {  	s8 =	rddreg [dreg:$0x0];
	s7 =	sor.u32 s6, s30  }
0x4: {  	s2 =	simm.s32 $0x0;
	s1 =	rddreg [dreg:$0x1];
	s3 =	smul.u32 $0x271, s7  }
0x5: {  	[smem:$0x7FF] =	sst s2;
	s5 =	sadd.s32 $0x9400, s8  }
0x6: {  	_ =	strace $0x8000004D;
	s10 =	ssub.s32 $0x2, s6;
	s3 =	sadd.s32 s3, s8  }
0x7: {  	s6 =	simm.s32 $0x1388;
	s4 =	sadd.s32 $0x4400, s3;
	s3 =	simm.s32 $0x2  }
0x8: {  	[tilespmem:s2], [sflag:$0x2] =	stream.linear.gather [hbm4b:s4+s2], $0x1388, $0x38;
	[tilespmem:$0x14C08] =	vst v63  }
0x9: {  	s9 =	smul.u32 $0x2710, s7;
	s11 =	sshrl.u32 s10, $0x1;
	_ =	swait.ge [sflag:s3], $0x1388  }
0xa: {  	s7 =	simm.s32 $0x1;
	s31 =	ssub.s32 s10, s11;
	[sflag:s3] =	ssyncset.done $0x0  }
0xb: {  	s8 =	sadd.s32 s9, s8;
	s9 =	smax.u32 s31, $0x1;
	[sflag:s3] =	ssyncadd.s32 $0xFFFFEC78  }
0xc: {  	[tilespmem:s6], [sflag:$0x1] =	stream.indirect.gather [hbm4b:s5+s6], $0x10, s2, s6, $0xb8;
	[tilespmem:$0x14C08] =	vst v63  }
0xd: {  	p0 =	sne.s32 s9, $0x1;
	_ =	swait.ge [sflag:s7], $0x13880  }
.Ltmp0:
0xe: {  	[sflag:s7] =	ssyncset.done $0x0;
	(pc) =	sbr.rel @!p0 .LBB2_2-.Ltmp0, $4  }
0xf: {  	s8 =	sadd.s32 $0x2CD600, s8;
	[sflag:s7] =	ssyncadd.s32 $0xFFFEC780  }
0x10: {  	[hbm4b:s8+s2] =	stream.linear.scatter [tilespmem:s6], [sflag:$0x2], $0x13880, $0x38;
	[tilespmem:$0x14C08] =	vst v63  }
0x11: {  	_ =	swait.ge [sflag:s3], $0x13880  }
0x12: {  	s9 =	sadd.s32 $0xFFFFFFFF, s9;
	[sflag:s3] =	ssyncset.done $0x0  }
.LBB2_1:
0x13: {  	p0 =	sne.s32 s9, $0x1;
	s9 =	sadd.s32 $0xFFFFFFFF, s9;
	[sflag:s3] =	ssyncadd.s32 $0xFFFEC780  }
0x14: {  	[tilespmem:s2], [sflag:$0x2] =	stream.linear.gather [hbm4b:s4+s2], $0x1388, $0x38;
	[tilespmem:$0x14C08] =	vst v63  }
0x15: {  	_ =	swait.ge [sflag:s3], $0x1388  }
0x16: {  	[sflag:s3] =	ssyncset.done $0x0  }
0x17: {  	[sflag:s3] =	ssyncadd.s32 $0xFFFFEC78  }
0x18: {  	[tilespmem:s6], [sflag:$0x1] =	stream.indirect.gather [hbm4b:s5+s6], $0x10, s2, s6, $0xb8;
	[tilespmem:$0x14C08] =	vst v63  }
0x19: {  	_ =	swait.ge [sflag:s7], $0x13880  }
.Ltmp1:
0x1a: {  	[sflag:s7] =	ssyncset.done $0x0;
	(pc) =	sbr.rel @p0 .LBB2_1-.Ltmp1, $4  }
0x1b: {  	[sflag:s7] =	ssyncadd.s32 $0xFFFEC780  }
0x1c: {  	[hbm4b:s8+s2] =	stream.linear.scatter [tilespmem:s6], [sflag:$0x2], $0x13880, $0x38;
	[tilespmem:$0x14C08] =	vst v63  }
0x1d: {  	_ =	swait.ge [sflag:s3], $0x13880  }
0x1e: {  	[sflag:s3] =	ssyncset.done $0x0  }
.LBB2_2:
0x1f: {  	[sflag:s3] =	ssyncadd.s32 $0xFFFEC780  }
0x20: {  	_ =	sfence.sel $0x180000  }
0x21: {  	[bflag:$0x0] =	sbarrier.arrive $0xFFFF  }
0x22: {  	p0 =	sne.s32 s0, $0x0;
	_ =	strace $0x9000004D  }
0x23: {  	s0 =	sadd.s32 @!p0 $0x100000, s1;
	[bflag:$0x2] =	sbarrier.arrive $0xFFFF  }
0x24: {  	[sflag:s0] =	ssyncadd.tile.s32 @!p0 $0x1;
	_ =	shalt  }
.Lfunc_end2:
_tile_overlayer_lowered:
.L_overlay_start_2:
0x25: {  	(tag) =	ssettag $0x2  }
0x26: {  	s0 =	rddreg [dreg:$0x0];
	s2 =	stileid.u32  }
0x27: {  	s1 =	rddreg [dreg:$0x1];
	p0 =	sne.s32 s2, $0x0  }
0x28: {  	s3 =	rddreg [dreg:$0x2];
	[bflag:$0x3] =	sbarrier.arrive $0xFFFF;
	s2 =	simm.s32 @!p0 $0x1C02  }
0x29: {  	[timem:s3], [sflag:s2] =	dma.local @!p0 [hbm:s0], s1  }
0x2a: {  	s0 =	simm.s32 @!p0 $0x2  }
0x2b: {  	_ =	swait.ge @!p0 [sflag:s0], s1  }
0x2c: {  	s1 =	ssub.s32 @!p0 $0x0, s1;
	[sflag:s0] =	ssyncset.done @!p0 $0x0  }
0x2d: {  	[sflag:s0] =	ssyncadd.s32 @!p0 s1  }
0x2e: {  	[bflag:$0x3] =	sbarrier.arrive $0xFFFF  }
0x2f: {  	_ =	shalt  }

// kernel: kernel.20.cloned.1.call-start
scs
__scs_entry_jumppad:
0x0: {  	(pc) =	sbr.rel $0x88, $3  }
0x1: {  	(tag) =	ssettag $0x0;
	lr =	simm.s32 $0x1  }
0x2: {  	[smem:$0x3F8E] =	sst lr;
	_ =	strace $0xD0000000  }
0x3: {  	_ = 	snop  }
0x4: {  	_ = 	snop  }
0x5: {  	_ = 	snop  }
0x6: {  	_ = 	snop  }
0x7: {  	_ = 	snop  }
__scs_overlays_trampoline_lowered:
0x8: {  	[smem:$0x3F9D] =	sst s0  }
0x9: {  	[smem:$0x3F9E] =	sst s1  }
0xa: {  	[smem:$0x3F9F] =	sst s2  }
0xb: {  	[smem:$0x3FA0] =	sst s3  }
0xc: {  	[smem:$0x3FA1] =	sst s4  }
0xd: {  	[smem:$0x3FA2] =	sst s5  }
0xe: {  	[smem:$0x3FA3] =	sst s6  }
0xf: {  	[smem:$0x3FA4] =	sst s7  }
0x10: {  	[smem:$0x3FA5] =	sst s8  }
0x11: {  	[smem:$0x3FA6] =	sst s9;
	s0 =	simm.s32 @!p0 $0x0  }
0x12: {  	s1 =	sld [smem:$0x3F8C];
	s0 =	simm.s32 @p0 $0x1  }
0x13: {  	[smem:$0x3FA7] =	sst s0;
	s0 =	simm.s32 @!p1 $0x0  }
0x14: {  	s2 =	sld [smem:$0x3F8B];
	s0 =	simm.s32 @p1 $0x1  }
0x15: {  	[smem:$0x3FA8] =	sst s0;
	s0 =	simm.s32 @!p2 $0x0  }
0x16: {  	s3 =	sld [smem:$0x3FDB];
	s0 =	simm.s32 @p2 $0x1  }
0x17: {  	s4 =	simm.s32 $0x1BF5;
	[smem:$0x3FAA] =	sst s0  }
0x18: {  	s0 =	sld [smem:$0x3F8D];
	_ =	swait.ge [sflag:s4], $0x0  }
0x19: {  	s7 =	sld [smem:$0x3F8E]  }
0x1a: {  	s8 =	sadd.s32 $0xFFFFE003, lr  }
0x1b: {  	s9 =	sadd.s32 $0xFFFFFEF7, lr;
	s5 =	simm.s32 $0xFFFFFFFF;
	p2 =	slt.u32 s8, $0xFFFFF086  }
0x1c: {  	p1 =	slt.u32 s9, $0xF7A;
	s5 =	simm.s32 @!p2 $0x0  }
0x1d: {  	s5 =	simm.s32 @p1 $0x1;
	p0 =	seq.s32 s7, s2  }
0x1e: {  	s7 =	smul.u32 @!p0 $0xF7A, s2;
	p2 =	seq.s32 @!p0 s5, $0x0  }
0x1f: {  	s9 =	smul.u32 $0xF7A, s1;
	s8 =	simm.s32 @!p0 $0x1BF5;
	p2 =	por !p2, p0  }
0x20: {  	[sflag:s8] =	ssyncset.s32 @!p0 $0xFFFFF086;
	s6 =	sadd.s32 @!p0 s3, s7;
	s7 =	simm.s32 @!p0 $0x108  }
0x21: {  	s3 =	sadd.s32 s3, s9;
	s6 =	sadd.s32 @!p0 $0x88, s6;
	s7 =	simm.s32 @p2 $0x1082  }
0x22: {  	[simem:s7], [sflag:s8] =	dma.local @!p0 [hbm:s6], $0xF7A  }
0x23: {  	s9 =	sor.u32 $0xD0000000, s2;
	s6 =	simm.s32 $0x108;
	_ =	swait.ge @!p0 [sflag:s8], $0x0  }
0x24: {  	s3 =	sadd.s32 $0x88, s3;
	s6 =	simm.s32 @!p1 $0x1082;
	[sflag:s4] =	ssyncset.s32 $0xFFFFF086  }
0x25: {  	[simem:s6], [sflag:s4] =	dma.local [hbm:s3], $0xF7A  }
0x26: {  	[smem:$0x3F8E] =	sst s1;
	(tag) =	ssettag s2;
	_ =	strace s9  }
0x27: {  	s1 =	sld [smem:$0x3F9E]  }
0x28: {  	s2 =	sld [smem:$0x3F9F]  }
0x29: {  	s4 =	sld [smem:$0x3FA1]  }
0x2a: {  	p0 =	seq.s32 s5, $0x0;
	s5 =	sld [smem:$0x3FA2]  }
0x2b: {  	s6 =	sld [smem:$0x3FA3]  }
0x2c: {  	s7 =	sld [smem:$0x3FA4]  }
0x2d: {  	s3 =	simm.s32 $0x108;
	s8 =	sld [smem:$0x3FA5]  }
0x2e: {  	s3 =	simm.s32 @!p0 $0x1082;
	s9 =	sld [smem:$0x3FA6]  }
0x2f: {  	lr =	sadd.s32 s0, s3;
	s0 =	sld [smem:$0x3F9D]  }
0x30: {  	s3 =	sld [smem:$0x3FA0]  }
0x31: {  	[smem:$0x3FA9] =	sst s10  }
0x32: {  	s10 =	sld [smem:$0x3FA7];
	_ =	sdelay $0x3  }
0x33: {  	p0 =	seq.s32 s10, $0x1;
	s10 =	sld [smem:$0x3FA9];
	_ =	sdelay $0x3  }
0x34: {  	[smem:$0x3FA9] =	sst s10  }
0x35: {  	s10 =	sld [smem:$0x3FA8];
	_ =	sdelay $0x3  }
0x36: {  	p1 =	seq.s32 s10, $0x1;
	s10 =	sld [smem:$0x3FA9];
	_ =	sdelay $0x3  }
0x37: {  	[smem:$0x3FA9] =	sst s10  }
0x38: {  	s10 =	sld [smem:$0x3FAA]  }
0x39: {  	_ = 	snop;
	(pc) =	sbr.ind lr, $3  }
0x3a: {  	_ = 	snop  }
0x3b: {  	_ = 	snop  }
0x3c: {  	p2 =	seq.s32 s10, $0x1;
	s10 =	sld [smem:$0x3FA9]  }
0x3d: {  	_ =	shalt  }
0x3e: {  	_ =	shalt  }
0x3f: {  	_ =	shalt  }
0x40: {  	_ =	shalt  }
0x41: {  	_ =	shalt  }
0x42: {  	_ =	shalt  }
0x43: {  	_ =	shalt  }
0x44: {  	_ =	shalt  }
0x45: {  	_ =	shalt  }
0x46: {  	_ =	shalt  }
0x47: {  	_ =	shalt  }
0x48: {  	_ =	shalt  }
0x49: {  	_ =	shalt  }
0x4a: {  	_ =	shalt  }
0x4b: {  	_ =	shalt  }
0x4c: {  	_ =	shalt  }
0x4d: {  	_ =	shalt  }
0x4e: {  	_ =	shalt  }
0x4f: {  	_ =	shalt  }
0x50: {  	_ =	shalt  }
0x51: {  	_ =	shalt  }
0x52: {  	_ =	shalt  }
0x53: {  	_ =	shalt  }
0x54: {  	_ =	shalt  }
0x55: {  	_ =	shalt  }
0x56: {  	_ =	shalt  }
0x57: {  	_ =	shalt  }
0x58: {  	_ =	shalt  }
0x59: {  	_ =	shalt  }
0x5a: {  	_ =	shalt  }
0x5b: {  	_ =	shalt  }
0x5c: {  	_ =	shalt  }
0x5d: {  	_ =	shalt  }
0x5e: {  	_ =	shalt  }
0x5f: {  	_ =	shalt  }
0x60: {  	_ =	shalt  }
0x61: {  	_ =	shalt  }
0x62: {  	_ =	shalt  }
0x63: {  	_ =	shalt  }
0x64: {  	_ =	shalt  }
0x65: {  	_ =	shalt  }
0x66: {  	_ =	shalt  }
0x67: {  	_ =	shalt  }
0x68: {  	_ =	shalt  }
0x69: {  	_ =	shalt  }
0x6a: {  	_ =	shalt  }
0x6b: {  	_ =	shalt  }
0x6c: {  	_ =	shalt  }
0x6d: {  	_ =	shalt  }
0x6e: {  	_ =	shalt  }
0x6f: {  	_ =	shalt  }
0x70: {  	_ =	shalt  }
0x71: {  	_ =	shalt  }
0x72: {  	_ =	shalt  }
0x73: {  	_ =	shalt  }
0x74: {  	_ =	shalt  }
0x75: {  	_ =	shalt  }
0x76: {  	_ =	shalt  }
0x77: {  	_ =	shalt  }
0x78: {  	_ =	shalt  }
0x79: {  	_ =	shalt  }
0x7a: {  	_ =	shalt  }
0x7b: {  	_ =	shalt  }
0x7c: {  	_ =	shalt  }
0x7d: {  	_ =	shalt  }
0x7e: {  	_ =	shalt  }
0x7f: {  	_ =	shalt  }
0x80: {  	_ =	shalt  }
0x81: {  	_ =	shalt  }
0x82: {  	_ =	shalt  }
0x83: {  	_ =	shalt  }
0x84: {  	_ =	shalt  }
0x85: {  	_ =	shalt  }
0x86: {  	_ =	shalt  }
0x87: {  	_ =	shalt  }
.Lfunc_end0:
.L_simem_size_0:
called_computation.3_lowered:
.L_overlay_start_0:
0x88: {  	s2 =	sld [smem:$0x3FD9]  }
0x89: {  	s3 =	sld [smem:$0x3FFE];
	_ =	sdelay $0x1  }
0x8a: {  	s1 =	srdreg.scid  }
0x8b: {  	s0 =	sand.u32 $0x1, s1  }
0x8c: {  	s16 =	sshll.u32 s0, $0xA;
	s2 =	sadd.s32 s3, s2  }
0x8d: {  	s2 =	sadd.s32 s2, s16  }
0x8e: {  	[smem:$0x3FB5] =	sst s2  }
0x8f: {  	_ = 	snop  }
0x90: {  	(tm) =	ssettm $0x1  }
0x91: {  	s17 =	sld [smem:$0x3FFB];
	_ =	sdelay $0x3  }
0x92: {  	_ =	strace s17  }
0x93: {  	s2 =	sld [smem:$0x3FFC];
	_ =	sdelay $0x3  }
0x94: {  	_ =	strace s2  }
0x95: {  	s2 =	sld [smem:$0x3FFD];
	_ =	sdelay $0x3  }
0x96: {  	_ =	strace s2  }
0x97: {  	_ =	strace $0x8FFFFFFF  }
0x98: {  	s18 =	sld [smem:$0x3FDB];
	_ =	sdelay $0x1  }
0x99: {  	s19 =	simm.s32 $_scs_section_size  }
0x9a: {  	s4 =	simm.s32 $_size__tile_overlayer_lowered;
	s5 =	simm.s32 $_tile_overlayer_lowered  }
0x9b: {  	s22 =	simm.s32 $0x1BFF;
	s21 =	sshll.u32 s5, $0x1;
	s2 =	sadd.s32 s19, s18  }
0x9c: {  	s6 =	simm.s32 $0x0;
	s20 =	sshll.u32 s4, $0x1;
	s4 =	sadd.s32 s21, s2  }
0x9d: {  	[timem:s6], [sflag:s22] =	dma.local [hbm:s4], s20  }
0x9e: {  	_ =	swait.ge [sflag:s22], s20  }
0x9f: {  	s3 =	ssub.s32 $0x0, s20;
	[sflag:s22] =	ssyncset.done $0x0  }
0xa0: {  	[sflag:s22] =	ssyncadd.s32 s3;
	_ =	sdelay $0x1  }
0xa1: {  	s23 =	simm.s32 $0x1B8B  }
0xa2: {  	_ =	swait.ge [sflag:s23], $0x1  }
0xa3: {  	[sflag:s23] =	ssyncset.done $0x0  }
0xa4: {  	s25 =	simm.s32 $0x1B8E;
	s24 =	sld [smem:$0x3FFE];
	[sflag:s23] =	ssyncadd.s32 $0xFFFFFFFF  }
0xa5: {  	s26 =	simm.s32 $execute0_lowered;
	[smem:$0x3FD2] =	sst s25  }
0xa6: {  	s4 =	sshll.u32 s26, $0x1;
	_ =	strace $0x8000004F;
	[dreg:$0x1] =	wrdreg $0xFFFFFFFF  }
0xa7: {  	s28 =	simm.s32 $_size_execute0_lowered;
	s2 =	sadd.s32 s2, s4;
	[dreg:$0x0] =	wrdreg $0x0  }
0xa8: {  	s4 =	sshll.u32 s28, $0x1;
	[dreg:$0x2] =	wrdreg s2  }
0xa9: {  	[dreg:$0x3] =	wrdreg s4  }
0xaa: {  	[dreg:$0x4] =	wrdreg $0xC0  }
0xab: {  	_ =	task [dreg:s6], $0x5FFFF  }
0xac: {  	[dreg:$0x1] =	wrdreg $0xFFFFFFFF  }
0xad: {  	[dreg:$0x0] =	wrdreg $0x60  }
0xae: {  	[dreg:$0x2] =	wrdreg s24  }
0xaf: {  	[dreg:$0x3] =	wrdreg $0x14C080  }
0xb0: {  	[dreg:$0x4] =	wrdreg $0x9  }
0xb1: {  	_ =	task.clear_ibuf [dreg:s6], $0x5FFFF;
	_ =	strace $0x9000004F  }
0xb2: {  	s29 =	simm.s32 $0x9;
	_ =	strace $0x80000051  }
0xb3: {  	_ =	swait.ge [sflag:s29], $0x1  }
0xb4: {  	[sflag:s29] =	ssyncadd.s32 $0xFFFFFFFF  }
0xb5: {  	_ =	strace $0x90000051  }
0xb6: {  	_ =	sfence  }
0xb7: {  	s30 =	sld [smem:$0x0];
	_ =	sdelay $0x2  }
0xb8: {  	s31 =	sshll.u32 s1, $0xD;
	s1 =	sshrl.u32 s1, $0x2  }
0xb9: {  	s3 =	sand.u32 $0x4000, s31;
	s1 =	sadd.s32 s1, s30  }
0xba: {  	s0 =	sor.u32 s3, s0;
	s1 =	sshll.u32 s1, $0x11  }
0xbb: {  	s0 =	sor.u32 s1, s0  }
0xbc: {  	s0 =	sadd.s32 $0x8F2B, s0  }
0xbd: {  	[sflag:s0] =	ssyncadd.remote.s32 $0x1  }
0xbe: {  	_ =	sfence.sel $0xFFFF  }
0xbf: {  	[dreg:$0x0] =	wrdreg $0xFFFFFFFF;
	(pc) =	sbr.abs _section_cstart, $3  }
0xc0: {  	[dreg:$0x1] =	wrdreg $0xFFFFFFFF  }
0xc1: {  	_ =	task.clear_ibuf [dreg:s6], $0x2FFFF;
	_ =	strace $0x9FFFFFFF  }
0xc2: {  	(tm) =	ssettm $0x7FFFFFFF  }
0xc3: {  	_ =	shalt  }
tec
execute0_lowered:
.L_overlay_start_1:
0x0: {  	(tag) =	ssettag $0x1  }
0x1: {  	s4 =	rddreg [dreg:$0x0]  }
0x2: {  	s2 =	rddreg [dreg:$0x1]  }
0x3: {  	s0 =	rddreg [dreg:$0x2];
	s3 =	srdreg.scid  }
0x4: {  	s1 =	stileid.u32;
	s13 =	simm.s32 $0x0;
	s5 =	sand.u32 $0x1, s3  }
0x5: {  	s6 =	sshll.u32 s1, $0x1;
	s7 =	smul.u32 $0x2710, s1;
	s3 =	simm.s32 $0x0  }
0x6: {  	s11 =	sshll.u32 s1, $0x6;
	s6 =	sor.u32 s5, s6;
	s8 =	smul.u32 $0x27100, s5  }
0x7: {  	[smem:$0x7FF] =	sst s3;
	s5 =	ssub.s32 $0x2, s5;
	s9 =	smul.u32 $0x2710, s6  }
0x8: {  	s11 =	sor.u32 $0x1C01, s11;
	s6 =	smul.u32 $0x271, s6;
	s31 =	sshrl.u32 s5, $0x1  }
0x9: {  	_ =	strace $0x80000050;
	s8 =	sadd.s32 s7, s8;
	s10 =	ssub.s32 s5, s31  }
0xa: {  	s9 =	sadd.s32 s9, s4;
	s8 =	sshrl.u32 s8, $0x3;
	s6 =	sadd.s32 s6, s4  }
0xb: {  	s8 =	sadd.s32 s8, s4;
	s4 =	sadd.s32 s7, s2;
	s5 =	sadd.s32 $0x57600, s6  }
0xc: {  	s6 =	sadd.s32 $0x4400, s9;
	s9 =	simm.s32 $0x1388;
	s7 =	sadd.s32 $0x5C600, s8  }
0xd: {  	v0 =	vimm.f32 $0.0e+00;
	s8 =	smax.u32 s10, $0x1;
	s10 =	simm.s32 $0x1;
	s12 =	sshrl.u32 s4, $0x3  }
.LBB2_1:
0xe: {  	s14 =	simm.s32 $0x40;
	s15 =	simm.s32 $0x0  }
.LBB2_2:
0xf: {  	p0 =	sne.s32 s14, $0x9C00;
	[tilespmem:s15+$0x1388] =	vst v0;
	s15 =	smov.u32 s14;
	s14 =	sadd.s32 $0x40, s14  }
.Ltmp0:
0x10: {  	(pc) =	sbr.rel @p0 .LBB2_2-.Ltmp0, $2  }
0x11: {  	_ =	sdelay $0x2  }
0x12: {  	s15 =	sshra.s32 s15, $0x2  }
0x13: {  	[tilespmem:s15+$0x1388] =	vst v0  }
0x14: {  	[spmem:s4] =	stream.linear.scatter [tilespmem:s9], [sflag:$0x1], $0x2710, $0x38;
	[tilespmem:$0x17318] =	vst v63  }
0x15: {  	_ =	swait.ge [sflag:s10], $0x2710  }
0x16: {  	[sflag:s10] =	ssyncset.done $0x0  }
0x17: {  	[sflag:s10] =	ssyncadd.s32 $0xFFFFD8F0  }
0x18: {  	[bflag:$0x0] =	sbarrier.arrive $0xFFFF  }
0x19: {  	[tilespmem:s3], [sflag:$0x1] =	stream.linear.gather [hbm4b:s5+s3], $0x1388, $0x38;
	[tilespmem:$0x17318] =	vst v63  }
0x1a: {  	_ =	swait.ge [sflag:s10], $0x1388  }
0x1b: {  	[sflag:s10] =	ssyncset.done $0x0  }
0x1c: {  	[sflag:s10] =	ssyncadd.s32 $0xFFFFEC78  }
0x1d: {  	[tilespmem:s9], [sflag:$0x1] =	stream.linear.gather [hbm4b:s6+s3], $0x13880, $0x38;
	[tilespmem:$0x17318] =	vst v63  }
0x1e: {  	_ =	swait.ge [sflag:s10], $0x13880  }
0x1f: {  	[sflag:s10] =	ssyncset.done $0x0  }
0x20: {  	[sflag:s10] =	ssyncadd.s32 $0xFFFEC780  }
0x21: {  	[spmem:s2] =	stream.indirect.scatter.add.f32 [tilespmem:s9], [sflag:$0x1], $0x10, s3, s9, $0xb8;
	[tilespmem:$0x17318] =	vst v63  }
0x22: {  	_ =	swait.ge [sflag:s10], $0x13880  }
0x23: {  	s13 =	sadd.s32 $0x1, s13;
	[sflag:s10] =	ssyncset.done $0x0  }
0x24: {  	p0 =	sne.s32 s13, s8;
	[sflag:s10] =	ssyncadd.s32 $0xFFFEC780  }
.Ltmp1:
0x25: {  	[bflag:$0x0] =	sbarrier.arrive $0xFFFF;
	(pc) =	sbr.rel @p0 .LBB2_1-.Ltmp1, $4  }
0x26: {  	[hbm:s7], [sflag:s11] =	dma.local [spmem:s12], $0x4E2  }
0x27: {  	_ =	swait.ge [sflag:s10], $0x4E2  }
0x28: {  	[sflag:s10] =	ssyncset.done $0x0  }
0x29: {  	[sflag:s10] =	ssyncadd.s32 $0xFFFFFB1E  }
0x2a: {  	_ =	sfence.sel $0x180000  }
0x2b: {  	[bflag:$0x0] =	sbarrier.arrive $0xFFFF  }
0x2c: {  	p0 =	sne.s32 s1, $0x0;
	_ =	strace $0x90000050  }
0x2d: {  	s0 =	sadd.s32 @!p0 $0x100000, s0;
	[bflag:$0x2] =	sbarrier.arrive $0xFFFF  }
0x2e: {  	[sflag:s0] =	ssyncadd.tile.s32 @!p0 $0x1;
	_ =	shalt  }
.Lfunc_end2:
_tile_overlayer_lowered:
.L_overlay_start_2:
0x2f: {  	(tag) =	ssettag $0x2  }
0x30: {  	s0 =	rddreg [dreg:$0x0];
	s2 =	stileid.u32  }
0x31: {  	s1 =	rddreg [dreg:$0x1];
	p0 =	sne.s32 s2, $0x0  }
0x32: {  	s3 =	rddreg [dreg:$0x2];
	[bflag:$0x3] =	sbarrier.arrive $0xFFFF;
	s2 =	simm.s32 @!p0 $0x1C01  }
0x33: {  	[timem:s3], [sflag:s2] =	dma.local @!p0 [hbm:s0], s1  }
0x34: {  	s0 =	simm.s32 @!p0 $0x1  }
0x35: {  	_ =	swait.ge @!p0 [sflag:s0], s1  }
0x36: {  	s1 =	ssub.s32 @!p0 $0x0, s1;
	[sflag:s0] =	ssyncset.done @!p0 $0x0  }
0x37: {  	[sflag:s0] =	ssyncadd.s32 @!p0 s1  }
0x38: {  	[bflag:$0x3] =	sbarrier.arrive $0xFFFF  }
0x39: {  	_ =	shalt  }

</sc_bundles>
